<compile_context>
chip_gen: v7x
topology: tpu7x:2x2x1
jax: 0.10.2.dev20260603
libtpu: 0.0.44.dev20260713+nightly
codegen_flags: <defaults>
</compile_context>

<pallas_src>
import functools

import jax
import jax.numpy as jnp
import numpy as np
from jax import lax
from jax.experimental import pallas as pl
from jax.experimental.pallas import tpu as pltpu
from jax.experimental.pallas import tpu_sc as plsc

B = 16384
LQ = 20
LD = 50
LT = LQ + LD
D = 64
H = 128

NC = 2
NS = 16
NW = NC * NS
ROWS_W = B // NW
R = 16
CHUNK = R * LT
NCH = ROWS_W // R
DW = D // 2

_HI = np.int32(-65536)


def _acc_word(v, acc, k):
    lo = plsc.bitcast(jax.lax.shift_left(v, 16), jnp.float32)
    hi = plsc.bitcast(jax.lax.bitwise_and(v, _HI), jnp.float32)
    acc[2 * k] = acc[2 * k] + lo
    acc[2 * k + 1] = acc[2 * k + 1] + hi


def _sc_pool_body(ids_hbm, table_hbm, qdout,
                  idx0, idx1, rows0, rows1, ob0, ob1, sem0, sem1):
    wid = lax.axis_index("s") * NC + lax.axis_index("c")
    row0 = wid * ROWS_W
    i0 = row0 * LT

    def start(c, idx_v, rows_v, sem):
        pltpu.sync_copy(ids_hbm.at[pl.ds(i0 + c * CHUNK, CHUNK)], idx_v)
        pltpu.async_copy(table_hbm.at[idx_v], rows_v, sem)

    def wait(idx_v, rows_v, sem):
        pltpu.make_async_copy(table_hbm.at[idx_v], rows_v, sem).wait()

    def compute(c, rows_v, ob):
        def row_body(r, _):
            rb = r * LT

            def body5(j5, acc):
                accs = list(acc)
                b0 = rb + j5 * 5
                for jj in range(5):
                    for k in range(2):
                        _acc_word(rows_v[b0 + jj, pl.ds(k * 16, 16)],
                                  accs, k)
                return tuple(accs)

            z = jnp.zeros((16,), jnp.float32)
            qa = lax.fori_loop(0, LQ // 5, body5, (z, z, z, z))
            da = lax.fori_loop(LQ // 5, LT // 5, body5, (z, z, z, z))
            for k in range(4):
                ob[r, pl.ds(k * 16, 16)] = qa[k]
                ob[r, pl.ds(D + k * 16, 16)] = da[k]
            return 0

        lax.fori_loop(0, R, row_body, 0)
        pltpu.sync_copy(ob, qdout.at[pl.ds(row0 + c * R, R)])

    start(0, idx0, rows0, sem0)

    def outer(i, carry):
        c0 = 2 * i
        start(c0 + 1, idx1, rows1, sem1)
        wait(idx0, rows0, sem0)
        compute(c0, rows0, ob0)

        @pl.when(i < NCH // 2 - 1)
        def _():
            start(c0 + 2, idx0, rows0, sem0)

        wait(idx1, rows1, sem1)
        compute(c0 + 1, rows1, ob1)
        return carry

    lax.fori_loop(0, NCH // 2, outer, 0)


def _make_sc_pool():
    return functools.partial(
        pl.kernel,
        out_type=jax.ShapeDtypeStruct((B, 2 * D), jnp.float32),
        mesh=plsc.VectorSubcoreMesh(core_axis_name="c", subcore_axis_name="s"),
        compiler_params=pltpu.CompilerParams(use_tc_tiling_on_sc=False,
                                             needs_layout_passes=False,
                                             skip_device_barrier=True),
        scratch_types=[
            pltpu.VMEM((CHUNK,), jnp.int32),
            pltpu.VMEM((CHUNK,), jnp.int32),
            pltpu.VMEM((CHUNK, DW), jnp.int32),
            pltpu.VMEM((CHUNK, DW), jnp.int32),
            pltpu.VMEM((R, 2 * D), jnp.float32),
            pltpu.VMEM((R, 2 * D), jnp.float32),
            pltpu.SemaphoreType.DMA,
            pltpu.SemaphoreType.DMA,
        ],
    )(_sc_pool_body)


_sc_pool = _make_sc_pool()


_BN = 16384


def _pack_body(tt_ref, out_ref):
    tbf = tt_ref[...].astype(jnp.bfloat16)
    p = pltpu.bitcast(tbf, jnp.int32)
    pt = p.T
    q = _BN // 4
    out_ref[...] = jnp.concatenate(
        [pt[0:q], pt[q:2 * q], pt[2 * q:3 * q], pt[3 * q:4 * q]], axis=1)


def _pack_table(tableT):
    V = tableT.shape[1]
    grid = (V + _BN - 1) // _BN
    return pl.pallas_call(
        _pack_body,
        grid=(grid,),
        in_specs=[pl.BlockSpec((D, _BN), lambda i: (0, i))],
        out_specs=pl.BlockSpec((_BN // 4, 128), lambda i: (i, 0)),
        out_shape=jax.ShapeDtypeStruct((grid * (_BN // 4), 128), jnp.int32),
    )(tableT)


_PERM = (list(range(0, 32, 2)) + list(range(1, 32, 2))
         + list(range(32, 64, 2)) + list(range(33, 64, 2)))


def _mlp_body(qd_ref, qid_ref, did_ref, w1_ref, b1_ref, w2_ref,
              b2_ref, out_ref):
    qc = jnp.maximum(
        jnp.sum((qid_ref[...] != 0).astype(jnp.float32), axis=0,
                keepdims=True), 1.0)
    dc = jnp.maximum(
        jnp.sum((did_ref[...] != 0).astype(jnp.float32), axis=0,
                keepdims=True), 1.0)
    qd = qd_ref[...]
    q = qd[:, 0:D] / qc.T
    d = qd[:, D:2 * D] / dc.T
    diff = jnp.abs(q - d)
    w1 = w1_ref[...]
    h = (jnp.dot(q, w1[0:D], preferred_element_type=jnp.float32)
         + jnp.dot(d, w1[D:2 * D], preferred_element_type=jnp.float32)
         + jnp.dot(diff, w1[2 * D:3 * D], preferred_element_type=jnp.float32)
         + b1_ref[...])
    h = jnp.maximum(h, 0.0)
    out_ref[...] = jnp.sum(h * w2_ref[...], axis=1) + b2_ref[0]


_BC = 2048


def _mlp(qdsum, qi, di, W1, b1, w2row, b2):
    return pl.pallas_call(
        _mlp_body,
        grid=(B // _BC,),
        in_specs=[
            pl.BlockSpec((_BC, 2 * D), lambda i: (i, 0)),
            pl.BlockSpec((LQ, _BC), lambda i: (0, i)),
            pl.BlockSpec((LD, _BC), lambda i: (0, i)),
            pl.BlockSpec((3 * D, H), lambda i: (0, 0)),
            pl.BlockSpec((H,), lambda i: (0,)),
            pl.BlockSpec((1, H), lambda i: (0, 0)),
            pl.BlockSpec((1,), lambda i: (0,)),
        ],
        out_specs=pl.BlockSpec((_BC,), lambda i: (i,)),
        out_shape=jax.ShapeDtypeStruct((B,), jnp.float32),
    )(qdsum, qi, di, W1, b1, w2row, b2)


def kernel(query_ids, dish_ids, table, W1, b1, W2, b2):
    qi = query_ids.astype(jnp.int32)
    di = dish_ids.astype(jnp.int32)
    ids_flat = jnp.concatenate([qi, di], axis=1).reshape(-1)
    vids = ((ids_flat & np.int32(~16383))
            | ((ids_flat & np.int32(4095)) << np.int32(2))
            | ((ids_flat >> np.int32(12)) & np.int32(3)))
    packed = _pack_table(table.T)
    tb32 = packed.reshape(packed.shape[0] * 4, DW)
    qdsum = _sc_pool(vids, tb32)
    perm = np.asarray(_PERM, dtype=np.int32)
    w1p = W1.reshape(3, D, H)[:, perm, :].reshape(3 * D, H)
    return _mlp(qdsum, qi.T, di.T, w1p, b1, W2.reshape(1, H),
                b2.reshape(1,))

# --- scband reference (transcript-rebuilt; emitter-appended) ---
"""Pipeline reference for scband-ranking-model-20298015441485 (READ-ONLY COPY).

The authoritative reference and input builder live on the scoring server;
editing this copy changes nothing except your own understanding.
"""

import jax, jax.numpy as jnp
import numpy as np

B = 16384
LQ = 20
LD = 50
V = 1000000
D = 64
H = 128
PAD = 0


def setup_inputs(seed: int = 0) -> dict:
    key = jax.random.key(seed)
    k1, k2, k3, k4, k5 = jax.random.split(key, 5)
    query_ids = jax.random.randint(k1, (B, LQ), 0, V, dtype=jnp.int64) if jax.config.jax_enable_x64 else jax.random.randint(k1, (B, LQ), 0, V, dtype=jnp.int32)
    dish_ids = jax.random.randint(k2, (B, LD), 0, V, dtype=jnp.int32)
    table = jax.random.normal(k3, (V, D), dtype=jnp.float32)
    table = table.at[PAD].set(0.0)
    W1 = jax.random.normal(k4, (3 * D, H), dtype=jnp.float32) * 0.02
    b1 = jnp.zeros((H,), dtype=jnp.float32)
    W2 = jax.random.normal(k5, (H, 1), dtype=jnp.float32) * 0.02
    b2 = jnp.zeros((1,), dtype=jnp.float32)
    return {"query_ids": query_ids, "dish_ids": dish_ids, "table": table,
            "W1": W1, "b1": b1, "W2": W2, "b2": b2}


def _encode(table, ids):
    emb = jnp.take(table, ids, axis=0)              # (B, L, D) gather
    mask = (ids != PAD)[..., None].astype(emb.dtype)
    emb_masked = emb * mask
    sum_emb = emb_masked.sum(axis=1)                # (B, D)
    lengths = jnp.clip(mask.sum(axis=1), 1.0, None)  # (B, 1)
    return sum_emb / lengths


def reference(query_ids, dish_ids, table, W1, b1, W2, b2):
    q_vec = _encode(table, query_ids)
    d_vec = _encode(table, dish_ids)
    diff = jnp.abs(q_vec - d_vec)
    z = jnp.concatenate([q_vec, d_vec, diff], axis=-1)  # (B, 3D)
    h = jnp.maximum(z @ W1 + b1, 0.0)
    logits = (h @ W2 + b2).squeeze(-1)                  # (B,)
    return logits

if __name__ == "__main__":
    import jax
    _d = setup_inputs()
    print(jax.jit(kernel)(*tuple(_d.values())))

</pallas_src>

<mosaic_0001>
#map = affine_map<(d0, d1) -> (0)>
#map1 = affine_map<(d0, d1) -> (0, 0)>
module attributes {stable_mosaic.version = 14 : i64} {
  func.func @_sc_pool_body(%arg0: i32, %arg1: i32, %arg2: memref<1146880xi32, #tpu.memory_space<hbm>>, %arg3: memref<1015808x32xi32, #tpu.memory_space<hbm>>, %arg4: memref<16384x128xf32, #tpu.memory_space<hbm>>, %arg5: memref<1120xi32, #tpu.memory_space<vmem>>, %arg6: memref<1120xi32, #tpu.memory_space<vmem>>, %arg7: memref<1120x32xi32, #tpu.memory_space<vmem>>, %arg8: memref<1120x32xi32, #tpu.memory_space<vmem>>, %arg9: memref<16x128xf32, #tpu.memory_space<vmem>>, %arg10: memref<16x128xf32, #tpu.memory_space<vmem>>, %arg11: memref<!tpu.dma_semaphore, #tpu.memory_space<semaphore_mem>>, %arg12: memref<!tpu.dma_semaphore, #tpu.memory_space<semaphore_mem>>) attributes {dimension_semantics = [#tpu.dimension_semantics<core_parallel>, #tpu.dimension_semantics<subcore_parallel>], iteration_bounds = array<i64: 2, 16>, scalar_prefetch = 0 : i64, scratch_operands = 8 : i64, tpu.core_type = #tpu.core_type<sc_vector_subcore>, window_params = [{transform_indices = #map}, {transform_indices = #map1}, {transform_indices = #map1}]} {
    %mul3A = arith.constant 2 : i32
    %mul3A_0 = arith.muli %arg1, %mul3A : i32
    %add3A = arith.addi %mul3A_0, %arg0 : i32
    %mul3A_1 = arith.constant 512 : i32
    %mul3A_2 = arith.muli %add3A, %mul3A_1 : i32
    %mul3A_3 = arith.constant 70 : i32
    %mul3A_4 = arith.muli %mul3A_2, %mul3A_3 : i32
    %add3A_5 = arith.constant 0 : i32
    %add3A_6 = arith.addi %mul3A_4, %add3A_5 : i32
    "tpu.region"() ({
      %run_scoped3A = tpu.sem_alloc : memref<!tpu.dma_semaphore, #tpu.memory_space<semaphore_mem>>
      %dma_start3A_14 = tpu.memref_slice %arg2[%add3A_6] : memref<1146880xi32, #tpu.memory_space<hbm>> -> memref<1120xi32, #tpu.memory_space<hbm>>
      %dma_start3A_15 = tpu.memref_slice %arg2[%add3A_6] : memref<1146880xi32, #tpu.memory_space<hbm>> -> memref<1120xi32, #tpu.memory_space<hbm>>
      tpu.enqueue_dma source(%dma_start3A_15 : memref<1120xi32, #tpu.memory_space<hbm>>) target(%arg5 : memref<1120xi32, #tpu.memory_space<vmem>>) target_semaphore(%run_scoped3A : memref<!tpu.dma_semaphore, #tpu.memory_space<semaphore_mem>>)
      %dma_wait3A = tpu.memref_slice %arg2[%add3A_6] : memref<1146880xi32, #tpu.memory_space<hbm>> -> memref<1120xi32, #tpu.memory_space<hbm>>
      %dma_wait3A_16 = tpu.memref_slice %arg2[%add3A_6] : memref<1146880xi32, #tpu.memory_space<hbm>> -> memref<1120xi32, #tpu.memory_space<hbm>>
      tpu.wait_dma2 semaphore(%run_scoped3A : memref<!tpu.dma_semaphore, #tpu.memory_space<semaphore_mem>>) src(%dma_wait3A_16 : memref<1120xi32, #tpu.memory_space<hbm>>) dst(%arg5 : memref<1120xi32, #tpu.memory_space<vmem>>)
      tpu.yield
    }) : () -> ()
    %dma_start3A = arith.constant 0 : i32
    %dma_start3A_7 = arith.constant 0 : i32
    %dma_start3A_8 = tpu.memref_slice %arg3[%dma_start3A, %dma_start3A_7] : memref<1015808x32xi32, #tpu.memory_space<hbm>> -> memref<1015808x32xi32, #tpu.memory_space<hbm>>
    tpu.enqueue_indirect_dma source(%dma_start3A_8 : memref<1015808x32xi32, #tpu.memory_space<hbm>>) target(%arg7 : memref<1120x32xi32, #tpu.memory_space<vmem>>) offsets(%arg5 : memref<1120xi32, #tpu.memory_space<vmem>>) semaphore(%arg11 : memref<!tpu.dma_semaphore, #tpu.memory_space<semaphore_mem>>)
    %scan3A = arith.constant 0 : i32
    %scan3A_9 = arith.constant 0 : i32
    %scan3A_10 = arith.constant 16 : i32
    %scan3A_11 = arith.addi %scan3A_9, %scan3A_10 : i32
    %scan3A_12 = arith.constant 1 : i32
    scf.for %scan3A_14 = %scan3A_9 to %scan3A_11 step %scan3A_12  : i32 {
      %mul3A_15 = arith.constant 2 : i32
      %mul3A_16 = arith.muli %mul3A_15, %scan3A_14 : i32
      %add3A_17 = arith.constant 1 : i32
      %add3A_18 = arith.addi %mul3A_16, %add3A_17 : i32
      %mul3A_19 = arith.constant 1120 : i32
      %mul3A_20 = arith.muli %add3A_18, %mul3A_19 : i32
      %add3A_21 = arith.addi %mul3A_4, %mul3A_20 : i32
      "tpu.region"() ({
        %run_scoped3A = tpu.sem_alloc : memref<!tpu.dma_semaphore, #tpu.memory_space<semaphore_mem>>
        %dma_start3A_54 = tpu.memref_slice %arg2[%add3A_21] : memref<1146880xi32, #tpu.memory_space<hbm>> -> memref<1120xi32, #tpu.memory_space<hbm>>
        %dma_start3A_55 = tpu.memref_slice %arg2[%add3A_21] : memref<1146880xi32, #tpu.memory_space<hbm>> -> memref<1120xi32, #tpu.memory_space<hbm>>
        tpu.enqueue_dma source(%dma_start3A_55 : memref<1120xi32, #tpu.memory_space<hbm>>) target(%arg6 : memref<1120xi32, #tpu.memory_space<vmem>>) target_semaphore(%run_scoped3A : memref<!tpu.dma_semaphore, #tpu.memory_space<semaphore_mem>>)
        %dma_wait3A_56 = tpu.memref_slice %arg2[%add3A_21] : memref<1146880xi32, #tpu.memory_space<hbm>> -> memref<1120xi32, #tpu.memory_space<hbm>>
        %dma_wait3A_57 = tpu.memref_slice %arg2[%add3A_21] : memref<1146880xi32, #tpu.memory_space<hbm>> -> memref<1120xi32, #tpu.memory_space<hbm>>
        tpu.wait_dma2 semaphore(%run_scoped3A : memref<!tpu.dma_semaphore, #tpu.memory_space<semaphore_mem>>) src(%dma_wait3A_57 : memref<1120xi32, #tpu.memory_space<hbm>>) dst(%arg6 : memref<1120xi32, #tpu.memory_space<vmem>>)
        tpu.yield
      }) : () -> ()
      %dma_start3A_22 = arith.constant 0 : i32
      %dma_start3A_23 = arith.constant 0 : i32
      %dma_start3A_24 = tpu.memref_slice %arg3[%dma_start3A_22, %dma_start3A_23] : memref<1015808x32xi32, #tpu.memory_space<hbm>> -> memref<1015808x32xi32, #tpu.memory_space<hbm>>
      tpu.enqueue_indirect_dma source(%dma_start3A_24 : memref<1015808x32xi32, #tpu.memory_space<hbm>>) target(%arg8 : memref<1120x32xi32, #tpu.memory_space<vmem>>) offsets(%arg6 : memref<1120xi32, #tpu.memory_space<vmem>>) semaphore(%arg12 : memref<!tpu.dma_semaphore, #tpu.memory_space<semaphore_mem>>)
      %dma_wait3A = arith.constant 0 : i32
      %dma_wait3A_25 = arith.constant 0 : i32
      %dma_wait3A_26 = tpu.memref_slice %arg3[%dma_wait3A, %dma_wait3A_25] : memref<1015808x32xi32, #tpu.memory_space<hbm>> -> memref<1015808x32xi32, #tpu.memory_space<hbm>>
      tpu.wait_indirect_dma semaphore(%arg11 : memref<!tpu.dma_semaphore, #tpu.memory_space<semaphore_mem>>) src(%dma_wait3A_26 : memref<1015808x32xi32, #tpu.memory_space<hbm>>) dst(%arg7 : memref<1120x32xi32, #tpu.memory_space<vmem>>)
      %scan3A_27 = arith.constant 0 : i32
      %scan3A_28 = arith.constant 0 : i32
      %scan3A_29 = arith.constant 16 : i32
      %scan3A_30 = arith.addi %scan3A_28, %scan3A_29 : i32
      %scan3A_31 = arith.constant 1 : i32
      %scan3A_32 = scf.for %scan3A_54 = %scan3A_28 to %scan3A_30 step %scan3A_31 iter_args(%scan3A_55 = %scan3A_27) -> (i32)  : i32 {
        %mul3A_56 = arith.constant 70 : i32
        %mul3A_57 = arith.muli %scan3A_54, %mul3A_56 : i32
        %broadcast_in_dim3A = arith.constant 0.000000e+00 : f32
        %broadcast_in_dim3A_58 = vector.broadcast %broadcast_in_dim3A : f32 to vector<16xf32>
        %scan3A_59 = arith.constant 0 : i32
        %scan3A_60 = arith.constant 4 : i32
        %scan3A_61 = arith.addi %scan3A_59, %scan3A_60 : i32
        %scan3A_62 = arith.constant 1 : i32
        %scan3A_63:4 = scf.for %scan3A_95 = %scan3A_59 to %scan3A_61 step %scan3A_62 iter_args(%scan3A_96 = %broadcast_in_dim3A_58, %scan3A_97 = %broadcast_in_dim3A_58, %scan3A_98 = %broadcast_in_dim3A_58, %scan3A_99 = %broadcast_in_dim3A_58) -> (vector<16xf32>, vector<16xf32>, vector<16xf32>, vector<16xf32>)  : i32 {
          %mul3A_100 = arith.constant 5 : i32
          %mul3A_101 = arith.muli %scan3A_95, %mul3A_100 : i32
          %add3A_102 = arith.addi %mul3A_57, %mul3A_101 : i32
          %add3A_103 = arith.constant 0 : i32
          %add3A_104 = arith.addi %add3A_102, %add3A_103 : i32
          %get3A = arith.index_cast %add3A_104 : i32 to index
          %get3A_105 = arith.constant 0 : index
          %get3A_106 = tpu.vector_load %arg7[%get3A, %get3A_105] {strides = array<i32>} : memref<1120x32xi32, #tpu.memory_space<vmem>>, vector<16xi32>,
          %shift_left3A = arith.constant 16 : i32
          %shift_left3A_107 = vector.broadcast %shift_left3A : i32 to vector<16xi32>
          %shift_left3A_108 = arith.shli %get3A_106, %shift_left3A_107 : vector<16xi32>
          %bitcast3A = vector.bitcast %shift_left3A_108 : vector<16xi32> to vector<16xf32>
          %and3A = arith.constant -65536 : i32
          %and3A_109 = vector.broadcast %and3A : i32 to vector<16xi32>
          %and3A_110 = arith.andi %get3A_106, %and3A_109 : vector<16xi32>
          %bitcast3A_111 = vector.bitcast %and3A_110 : vector<16xi32> to vector<16xf32>
          %add3A_112 = arith.addf %scan3A_96, %bitcast3A : vector<16xf32>
          %add3A_113 = arith.addf %scan3A_97, %bitcast3A_111 : vector<16xf32>
          %add3A_114 = arith.constant 0 : i32
          %add3A_115 = arith.addi %add3A_102, %add3A_114 : i32
          %get3A_116 = arith.index_cast %add3A_115 : i32 to index
          %get3A_117 = arith.constant 16 : index
          %get3A_118 = tpu.vector_load %arg7[%get3A_116, %get3A_117] {strides = array<i32>} : memref<1120x32xi32, #tpu.memory_space<vmem>>, vector<16xi32>,
          %shift_left3A_119 = arith.constant 16 : i32
          %shift_left3A_120 = vector.broadcast %shift_left3A_119 : i32 to vector<16xi32>
          %shift_left3A_121 = arith.shli %get3A_118, %shift_left3A_120 : vector<16xi32>
          %bitcast3A_122 = vector.bitcast %shift_left3A_121 : vector<16xi32> to vector<16xf32>
          %and3A_123 = arith.constant -65536 : i32
          %and3A_124 = vector.broadcast %and3A_123 : i32 to vector<16xi32>
          %and3A_125 = arith.andi %get3A_118, %and3A_124 : vector<16xi32>
          %bitcast3A_126 = vector.bitcast %and3A_125 : vector<16xi32> to vector<16xf32>
          %add3A_127 = arith.addf %scan3A_98, %bitcast3A_122 : vector<16xf32>
          %add3A_128 = arith.addf %scan3A_99, %bitcast3A_126 : vector<16xf32>
          %add3A_129 = arith.constant 1 : i32
          %add3A_130 = arith.addi %add3A_102, %add3A_129 : i32
          %get3A_131 = arith.index_cast %add3A_130 : i32 to index
          %get3A_132 = arith.constant 0 : index
          %get3A_133 = tpu.vector_load %arg7[%get3A_131, %get3A_132] {strides = array<i32>} : memref<1120x32xi32, #tpu.memory_space<vmem>>, vector<16xi32>,
          %shift_left3A_134 = arith.constant 16 : i32
          %shift_left3A_135 = vector.broadcast %shift_left3A_134 : i32 to vector<16xi32>
          %shift_left3A_136 = arith.shli %get3A_133, %shift_left3A_135 : vector<16xi32>
          %bitcast3A_137 = vector.bitcast %shift_left3A_136 : vector<16xi32> to vector<16xf32>
          %and3A_138 = arith.constant -65536 : i32
          %and3A_139 = vector.broadcast %and3A_138 : i32 to vector<16xi32>
          %and3A_140 = arith.andi %get3A_133, %and3A_139 : vector<16xi32>
          %bitcast3A_141 = vector.bitcast %and3A_140 : vector<16xi32> to vector<16xf32>
          %add3A_142 = arith.addf %add3A_112, %bitcast3A_137 : vector<16xf32>
          %add3A_143 = arith.addf %add3A_113, %bitcast3A_141 : vector<16xf32>
          %add3A_144 = arith.constant 1 : i32
          %add3A_145 = arith.addi %add3A_102, %add3A_144 : i32
          %get3A_146 = arith.index_cast %add3A_145 : i32 to index
          %get3A_147 = arith.constant 16 : index
          %get3A_148 = tpu.vector_load %arg7[%get3A_146, %get3A_147] {strides = array<i32>} : memref<1120x32xi32, #tpu.memory_space<vmem>>, vector<16xi32>,
          %shift_left3A_149 = arith.constant 16 : i32
          %shift_left3A_150 = vector.broadcast %shift_left3A_149 : i32 to vector<16xi32>
          %shift_left3A_151 = arith.shli %get3A_148, %shift_left3A_150 : vector<16xi32>
          %bitcast3A_152 = vector.bitcast %shift_left3A_151 : vector<16xi32> to vector<16xf32>
          %and3A_153 = arith.constant -65536 : i32
          %and3A_154 = vector.broadcast %and3A_153 : i32 to vector<16xi32>
          %and3A_155 = arith.andi %get3A_148, %and3A_154 : vector<16xi32>
          %bitcast3A_156 = vector.bitcast %and3A_155 : vector<16xi32> to vector<16xf32>
          %add3A_157 = arith.addf %add3A_127, %bitcast3A_152 : vector<16xf32>
          %add3A_158 = arith.addf %add3A_128, %bitcast3A_156 : vector<16xf32>
          %add3A_159 = arith.constant 2 : i32
          %add3A_160 = arith.addi %add3A_102, %add3A_159 : i32
          %get3A_161 = arith.index_cast %add3A_160 : i32 to index
          %get3A_162 = arith.constant 0 : index
          %get3A_163 = tpu.vector_load %arg7[%get3A_161, %get3A_162] {strides = array<i32>} : memref<1120x32xi32, #tpu.memory_space<vmem>>, vector<16xi32>,
          %shift_left3A_164 = arith.constant 16 : i32
          %shift_left3A_165 = vector.broadcast %shift_left3A_164 : i32 to vector<16xi32>
          %shift_left3A_166 = arith.shli %get3A_163, %shift_left3A_165 : vector<16xi32>
          %bitcast3A_167 = vector.bitcast %shift_left3A_166 : vector<16xi32> to vector<16xf32>
          %and3A_168 = arith.constant -65536 : i32
          %and3A_169 = vector.broadcast %and3A_168 : i32 to vector<16xi32>
          %and3A_170 = arith.andi %get3A_163, %and3A_169 : vector<16xi32>
          %bitcast3A_171 = vector.bitcast %and3A_170 : vector<16xi32> to vector<16xf32>
          %add3A_172 = arith.addf %add3A_142, %bitcast3A_167 : vector<16xf32>
          %add3A_173 = arith.addf %add3A_143, %bitcast3A_171 : vector<16xf32>
          %add3A_174 = arith.constant 2 : i32
          %add3A_175 = arith.addi %add3A_102, %add3A_174 : i32
          %get3A_176 = arith.index_cast %add3A_175 : i32 to index
          %get3A_177 = arith.constant 16 : index
          %get3A_178 = tpu.vector_load %arg7[%get3A_176, %get3A_177] {strides = array<i32>} : memref<1120x32xi32, #tpu.memory_space<vmem>>, vector<16xi32>,
          %shift_left3A_179 = arith.constant 16 : i32
          %shift_left3A_180 = vector.broadcast %shift_left3A_179 : i32 to vector<16xi32>
          %shift_left3A_181 = arith.shli %get3A_178, %shift_left3A_180 : vector<16xi32>
          %bitcast3A_182 = vector.bitcast %shift_left3A_181 : vector<16xi32> to vector<16xf32>
          %and3A_183 = arith.constant -65536 : i32
          %and3A_184 = vector.broadcast %and3A_183 : i32 to vector<16xi32>
          %and3A_185 = arith.andi %get3A_178, %and3A_184 : vector<16xi32>
          %bitcast3A_186 = vector.bitcast %and3A_185 : vector<16xi32> to vector<16xf32>
          %add3A_187 = arith.addf %add3A_157, %bitcast3A_182 : vector<16xf32>
          %add3A_188 = arith.addf %add3A_158, %bitcast3A_186 : vector<16xf32>
          %add3A_189 = arith.constant 3 : i32
          %add3A_190 = arith.addi %add3A_102, %add3A_189 : i32
          %get3A_191 = arith.index_cast %add3A_190 : i32 to index
          %get3A_192 = arith.constant 0 : index
          %get3A_193 = tpu.vector_load %arg7[%get3A_191, %get3A_192] {strides = array<i32>} : memref<1120x32xi32, #tpu.memory_space<vmem>>, vector<16xi32>,
          %shift_left3A_194 = arith.constant 16 : i32
          %shift_left3A_195 = vector.broadcast %shift_left3A_194 : i32 to vector<16xi32>
          %shift_left3A_196 = arith.shli %get3A_193, %shift_left3A_195 : vector<16xi32>
          %bitcast3A_197 = vector.bitcast %shift_left3A_196 : vector<16xi32> to vector<16xf32>
          %and3A_198 = arith.constant -65536 : i32
          %and3A_199 = vector.broadcast %and3A_198 : i32 to vector<16xi32>
          %and3A_200 = arith.andi %get3A_193, %and3A_199 : vector<16xi32>
          %bitcast3A_201 = vector.bitcast %and3A_200 : vector<16xi32> to vector<16xf32>
          %add3A_202 = arith.addf %add3A_172, %bitcast3A_197 : vector<16xf32>
          %add3A_203 = arith.addf %add3A_173, %bitcast3A_201 : vector<16xf32>
          %add3A_204 = arith.constant 3 : i32
          %add3A_205 = arith.addi %add3A_102, %add3A_204 : i32
          %get3A_206 = arith.index_cast %add3A_205 : i32 to index
          %get3A_207 = arith.constant 16 : index
          %get3A_208 = tpu.vector_load %arg7[%get3A_206, %get3A_207] {strides = array<i32>} : memref<1120x32xi32, #tpu.memory_space<vmem>>, vector<16xi32>,
          %shift_left3A_209 = arith.constant 16 : i32
          %shift_left3A_210 = vector.broadcast %shift_left3A_209 : i32 to vector<16xi32>
          %shift_left3A_211 = arith.shli %get3A_208, %shift_left3A_210 : vector<16xi32>
          %bitcast3A_212 = vector.bitcast %shift_left3A_211 : vector<16xi32> to vector<16xf32>
          %and3A_213 = arith.constant -65536 : i32
          %and3A_214 = vector.broadcast %and3A_213 : i32 to vector<16xi32>
          %and3A_215 = arith.andi %get3A_208, %and3A_214 : vector<16xi32>
          %bitcast3A_216 = vector.bitcast %and3A_215 : vector<16xi32> to vector<16xf32>
          %add3A_217 = arith.addf %add3A_187, %bitcast3A_212 : vector<16xf32>
          %add3A_218 = arith.addf %add3A_188, %bitcast3A_216 : vector<16xf32>
          %add3A_219 = arith.constant 4 : i32
          %add3A_220 = arith.addi %add3A_102, %add3A_219 : i32
          %get3A_221 = arith.index_cast %add3A_220 : i32 to index
          %get3A_222 = arith.constant 0 : index
          %get3A_223 = tpu.vector_load %arg7[%get3A_221, %get3A_222] {strides = array<i32>} : memref<1120x32xi32, #tpu.memory_space<vmem>>, vector<16xi32>,
          %shift_left3A_224 = arith.constant 16 : i32
          %shift_left3A_225 = vector.broadcast %shift_left3A_224 : i32 to vector<16xi32>
          %shift_left3A_226 = arith.shli %get3A_223, %shift_left3A_225 : vector<16xi32>
          %bitcast3A_227 = vector.bitcast %shift_left3A_226 : vector<16xi32> to vector<16xf32>
          %and3A_228 = arith.constant -65536 : i32
          %and3A_229 = vector.broadcast %and3A_228 : i32 to vector<16xi32>
          %and3A_230 = arith.andi %get3A_223, %and3A_229 : vector<16xi32>
          %bitcast3A_231 = vector.bitcast %and3A_230 : vector<16xi32> to vector<16xf32>
          %add3A_232 = arith.addf %add3A_202, %bitcast3A_227 : vector<16xf32>
          %add3A_233 = arith.addf %add3A_203, %bitcast3A_231 : vector<16xf32>
          %add3A_234 = arith.constant 4 : i32
          %add3A_235 = arith.addi %add3A_102, %add3A_234 : i32
          %get3A_236 = arith.index_cast %add3A_235 : i32 to index
          %get3A_237 = arith.constant 16 : index
          %get3A_238 = tpu.vector_load %arg7[%get3A_236, %get3A_237] {strides = array<i32>} : memref<1120x32xi32, #tpu.memory_space<vmem>>, vector<16xi32>,
          %shift_left3A_239 = arith.constant 16 : i32
          %shift_left3A_240 = vector.broadcast %shift_left3A_239 : i32 to vector<16xi32>
          %shift_left3A_241 = arith.shli %get3A_238, %shift_left3A_240 : vector<16xi32>
          %bitcast3A_242 = vector.bitcast %shift_left3A_241 : vector<16xi32> to vector<16xf32>
          %and3A_243 = arith.constant -65536 : i32
          %and3A_244 = vector.broadcast %and3A_243 : i32 to vector<16xi32>
          %and3A_245 = arith.andi %get3A_238, %and3A_244 : vector<16xi32>
          %bitcast3A_246 = vector.bitcast %and3A_245 : vector<16xi32> to vector<16xf32>
          %add3A_247 = arith.addf %add3A_217, %bitcast3A_242 : vector<16xf32>
          %add3A_248 = arith.addf %add3A_218, %bitcast3A_246 : vector<16xf32>
          scf.yield %add3A_232, %add3A_233, %add3A_247, %add3A_248 : vector<16xf32>, vector<16xf32>, vector<16xf32>, vector<16xf32>
        }
        %scan3A_64 = arith.constant 4 : i32
        %scan3A_65 = arith.constant 4 : i32
        %scan3A_66 = arith.constant 10 : i32
        %scan3A_67 = arith.addi %scan3A_65, %scan3A_66 : i32
        %scan3A_68 = arith.constant 1 : i32
        %scan3A_69:4 = scf.for %scan3A_95 = %scan3A_65 to %scan3A_67 step %scan3A_68 iter_args(%scan3A_96 = %broadcast_in_dim3A_58, %scan3A_97 = %broadcast_in_dim3A_58, %scan3A_98 = %broadcast_in_dim3A_58, %scan3A_99 = %broadcast_in_dim3A_58) -> (vector<16xf32>, vector<16xf32>, vector<16xf32>, vector<16xf32>)  : i32 {
          %mul3A_100 = arith.constant 5 : i32
          %mul3A_101 = arith.muli %scan3A_95, %mul3A_100 : i32
          %add3A_102 = arith.addi %mul3A_57, %mul3A_101 : i32
          %add3A_103 = arith.constant 0 : i32
          %add3A_104 = arith.addi %add3A_102, %add3A_103 : i32
          %get3A = arith.index_cast %add3A_104 : i32 to index
          %get3A_105 = arith.constant 0 : index
          %get3A_106 = tpu.vector_load %arg7[%get3A, %get3A_105] {strides = array<i32>} : memref<1120x32xi32, #tpu.memory_space<vmem>>, vector<16xi32>,
          %shift_left3A = arith.constant 16 : i32
          %shift_left3A_107 = vector.broadcast %shift_left3A : i32 to vector<16xi32>
          %shift_left3A_108 = arith.shli %get3A_106, %shift_left3A_107 : vector<16xi32>
          %bitcast3A = vector.bitcast %shift_left3A_108 : vector<16xi32> to vector<16xf32>
          %and3A = arith.constant -65536 : i32
          %and3A_109 = vector.broadcast %and3A : i32 to vector<16xi32>
          %and3A_110 = arith.andi %get3A_106, %and3A_109 : vector<16xi32>
          %bitcast3A_111 = vector.bitcast %and3A_110 : vector<16xi32> to vector<16xf32>
          %add3A_112 = arith.addf %scan3A_96, %bitcast3A : vector<16xf32>
          %add3A_113 = arith.addf %scan3A_97, %bitcast3A_111 : vector<16xf32>
          %add3A_114 = arith.constant 0 : i32
          %add3A_115 = arith.addi %add3A_102, %add3A_114 : i32
          %get3A_116 = arith.index_cast %add3A_115 : i32 to index
          %get3A_117 = arith.constant 16 : index
          %get3A_118 = tpu.vector_load %arg7[%get3A_116, %get3A_117] {strides = array<i32>} : memref<1120x32xi32, #tpu.memory_space<vmem>>, vector<16xi32>,
          %shift_left3A_119 = arith.constant 16 : i32
          %shift_left3A_120 = vector.broadcast %shift_left3A_119 : i32 to vector<16xi32>
          %shift_left3A_121 = arith.shli %get3A_118, %shift_left3A_120 : vector<16xi32>
          %bitcast3A_122 = vector.bitcast %shift_left3A_121 : vector<16xi32> to vector<16xf32>
          %and3A_123 = arith.constant -65536 : i32
          %and3A_124 = vector.broadcast %and3A_123 : i32 to vector<16xi32>
          %and3A_125 = arith.andi %get3A_118, %and3A_124 : vector<16xi32>
          %bitcast3A_126 = vector.bitcast %and3A_125 : vector<16xi32> to vector<16xf32>
          %add3A_127 = arith.addf %scan3A_98, %bitcast3A_122 : vector<16xf32>
          %add3A_128 = arith.addf %scan3A_99, %bitcast3A_126 : vector<16xf32>
          %add3A_129 = arith.constant 1 : i32
          %add3A_130 = arith.addi %add3A_102, %add3A_129 : i32
          %get3A_131 = arith.index_cast %add3A_130 : i32 to index
          %get3A_132 = arith.constant 0 : index
          %get3A_133 = tpu.vector_load %arg7[%get3A_131, %get3A_132] {strides = array<i32>} : memref<1120x32xi32, #tpu.memory_space<vmem>>, vector<16xi32>,
          %shift_left3A_134 = arith.constant 16 : i32
          %shift_left3A_135 = vector.broadcast %shift_left3A_134 : i32 to vector<16xi32>
          %shift_left3A_136 = arith.shli %get3A_133, %shift_left3A_135 : vector<16xi32>
          %bitcast3A_137 = vector.bitcast %shift_left3A_136 : vector<16xi32> to vector<16xf32>
          %and3A_138 = arith.constant -65536 : i32
          %and3A_139 = vector.broadcast %and3A_138 : i32 to vector<16xi32>
          %and3A_140 = arith.andi %get3A_133, %and3A_139 : vector<16xi32>
          %bitcast3A_141 = vector.bitcast %and3A_140 : vector<16xi32> to vector<16xf32>
          %add3A_142 = arith.addf %add3A_112, %bitcast3A_137 : vector<16xf32>
          %add3A_143 = arith.addf %add3A_113, %bitcast3A_141 : vector<16xf32>
          %add3A_144 = arith.constant 1 : i32
          %add3A_145 = arith.addi %add3A_102, %add3A_144 : i32
          %get3A_146 = arith.index_cast %add3A_145 : i32 to index
          %get3A_147 = arith.constant 16 : index
          %get3A_148 = tpu.vector_load %arg7[%get3A_146, %get3A_147] {strides = array<i32>} : memref<1120x32xi32, #tpu.memory_space<vmem>>, vector<16xi32>,
          %shift_left3A_149 = arith.constant 16 : i32
          %shift_left3A_150 = vector.broadcast %shift_left3A_149 : i32 to vector<16xi32>
          %shift_left3A_151 = arith.shli %get3A_148, %shift_left3A_150 : vector<16xi32>
          %bitcast3A_152 = vector.bitcast %shift_left3A_151 : vector<16xi32> to vector<16xf32>
          %and3A_153 = arith.constant -65536 : i32
          %and3A_154 = vector.broadcast %and3A_153 : i32 to vector<16xi32>
          %and3A_155 = arith.andi %get3A_148, %and3A_154 : vector<16xi32>
          %bitcast3A_156 = vector.bitcast %and3A_155 : vector<16xi32> to vector<16xf32>
          %add3A_157 = arith.addf %add3A_127, %bitcast3A_152 : vector<16xf32>
          %add3A_158 = arith.addf %add3A_128, %bitcast3A_156 : vector<16xf32>
          %add3A_159 = arith.constant 2 : i32
          %add3A_160 = arith.addi %add3A_102, %add3A_159 : i32
          %get3A_161 = arith.index_cast %add3A_160 : i32 to index
          %get3A_162 = arith.constant 0 : index
          %get3A_163 = tpu.vector_load %arg7[%get3A_161, %get3A_162] {strides = array<i32>} : memref<1120x32xi32, #tpu.memory_space<vmem>>, vector<16xi32>,
          %shift_left3A_164 = arith.constant 16 : i32
          %shift_left3A_165 = vector.broadcast %shift_left3A_164 : i32 to vector<16xi32>
          %shift_left3A_166 = arith.shli %get3A_163, %shift_left3A_165 : vector<16xi32>
          %bitcast3A_167 = vector.bitcast %shift_left3A_166 : vector<16xi32> to vector<16xf32>
          %and3A_168 = arith.constant -65536 : i32
          %and3A_169 = vector.broadcast %and3A_168 : i32 to vector<16xi32>
          %and3A_170 = arith.andi %get3A_163, %and3A_169 : vector<16xi32>
          %bitcast3A_171 = vector.bitcast %and3A_170 : vector<16xi32> to vector<16xf32>
          %add3A_172 = arith.addf %add3A_142, %bitcast3A_167 : vector<16xf32>
          %add3A_173 = arith.addf %add3A_143, %bitcast3A_171 : vector<16xf32>
          %add3A_174 = arith.constant 2 : i32
          %add3A_175 = arith.addi %add3A_102, %add3A_174 : i32
          %get3A_176 = arith.index_cast %add3A_175 : i32 to index
          %get3A_177 = arith.constant 16 : index
          %get3A_178 = tpu.vector_load %arg7[%get3A_176, %get3A_177] {strides = array<i32>} : memref<1120x32xi32, #tpu.memory_space<vmem>>, vector<16xi32>,
          %shift_left3A_179 = arith.constant 16 : i32
          %shift_left3A_180 = vector.broadcast %shift_left3A_179 : i32 to vector<16xi32>
          %shift_left3A_181 = arith.shli %get3A_178, %shift_left3A_180 : vector<16xi32>
          %bitcast3A_182 = vector.bitcast %shift_left3A_181 : vector<16xi32> to vector<16xf32>
          %and3A_183 = arith.constant -65536 : i32
          %and3A_184 = vector.broadcast %and3A_183 : i32 to vector<16xi32>
          %and3A_185 = arith.andi %get3A_178, %and3A_184 : vector<16xi32>
          %bitcast3A_186 = vector.bitcast %and3A_185 : vector<16xi32> to vector<16xf32>
          %add3A_187 = arith.addf %add3A_157, %bitcast3A_182 : vector<16xf32>
          %add3A_188 = arith.addf %add3A_158, %bitcast3A_186 : vector<16xf32>
          %add3A_189 = arith.constant 3 : i32
          %add3A_190 = arith.addi %add3A_102, %add3A_189 : i32
          %get3A_191 = arith.index_cast %add3A_190 : i32 to index
          %get3A_192 = arith.constant 0 : index
          %get3A_193 = tpu.vector_load %arg7[%get3A_191, %get3A_192] {strides = array<i32>} : memref<1120x32xi32, #tpu.memory_space<vmem>>, vector<16xi32>,
          %shift_left3A_194 = arith.constant 16 : i32
          %shift_left3A_195 = vector.broadcast %shift_left3A_194 : i32 to vector<16xi32>
          %shift_left3A_196 = arith.shli %get3A_193, %shift_left3A_195 : vector<16xi32>
          %bitcast3A_197 = vector.bitcast %shift_left3A_196 : vector<16xi32> to vector<16xf32>
          %and3A_198 = arith.constant -65536 : i32
          %and3A_199 = vector.broadcast %and3A_198 : i32 to vector<16xi32>
          %and3A_200 = arith.andi %get3A_193, %and3A_199 : vector<16xi32>
          %bitcast3A_201 = vector.bitcast %and3A_200 : vector<16xi32> to vector<16xf32>
          %add3A_202 = arith.addf %add3A_172, %bitcast3A_197 : vector<16xf32>
          %add3A_203 = arith.addf %add3A_173, %bitcast3A_201 : vector<16xf32>
          %add3A_204 = arith.constant 3 : i32
          %add3A_205 = arith.addi %add3A_102, %add3A_204 : i32
          %get3A_206 = arith.index_cast %add3A_205 : i32 to index
          %get3A_207 = arith.constant 16 : index
          %get3A_208 = tpu.vector_load %arg7[%get3A_206, %get3A_207] {strides = array<i32>} : memref<1120x32xi32, #tpu.memory_space<vmem>>, vector<16xi32>,
          %shift_left3A_209 = arith.constant 16 : i32
          %shift_left3A_210 = vector.broadcast %shift_left3A_209 : i32 to vector<16xi32>
          %shift_left3A_211 = arith.shli %get3A_208, %shift_left3A_210 : vector<16xi32>
          %bitcast3A_212 = vector.bitcast %shift_left3A_211 : vector<16xi32> to vector<16xf32>
          %and3A_213 = arith.constant -65536 : i32
          %and3A_214 = vector.broadcast %and3A_213 : i32 to vector<16xi32>
          %and3A_215 = arith.andi %get3A_208, %and3A_214 : vector<16xi32>
          %bitcast3A_216 = vector.bitcast %and3A_215 : vector<16xi32> to vector<16xf32>
          %add3A_217 = arith.addf %add3A_187, %bitcast3A_212 : vector<16xf32>
          %add3A_218 = arith.addf %add3A_188, %bitcast3A_216 : vector<16xf32>
          %add3A_219 = arith.constant 4 : i32
          %add3A_220 = arith.addi %add3A_102, %add3A_219 : i32
          %get3A_221 = arith.index_cast %add3A_220 : i32 to index
          %get3A_222 = arith.constant 0 : index
          %get3A_223 = tpu.vector_load %arg7[%get3A_221, %get3A_222] {strides = array<i32>} : memref<1120x32xi32, #tpu.memory_space<vmem>>, vector<16xi32>,
          %shift_left3A_224 = arith.constant 16 : i32
          %shift_left3A_225 = vector.broadcast %shift_left3A_224 : i32 to vector<16xi32>
          %shift_left3A_226 = arith.shli %get3A_223, %shift_left3A_225 : vector<16xi32>
          %bitcast3A_227 = vector.bitcast %shift_left3A_226 : vector<16xi32> to vector<16xf32>
          %and3A_228 = arith.constant -65536 : i32
          %and3A_229 = vector.broadcast %and3A_228 : i32 to vector<16xi32>
          %and3A_230 = arith.andi %get3A_223, %and3A_229 : vector<16xi32>
          %bitcast3A_231 = vector.bitcast %and3A_230 : vector<16xi32> to vector<16xf32>
          %add3A_232 = arith.addf %add3A_202, %bitcast3A_227 : vector<16xf32>
          %add3A_233 = arith.addf %add3A_203, %bitcast3A_231 : vector<16xf32>
          %add3A_234 = arith.constant 4 : i32
          %add3A_235 = arith.addi %add3A_102, %add3A_234 : i32
          %get3A_236 = arith.index_cast %add3A_235 : i32 to index
          %get3A_237 = arith.constant 16 : index
          %get3A_238 = tpu.vector_load %arg7[%get3A_236, %get3A_237] {strides = array<i32>} : memref<1120x32xi32, #tpu.memory_space<vmem>>, vector<16xi32>,
          %shift_left3A_239 = arith.constant 16 : i32
          %shift_left3A_240 = vector.broadcast %shift_left3A_239 : i32 to vector<16xi32>
          %shift_left3A_241 = arith.shli %get3A_238, %shift_left3A_240 : vector<16xi32>
          %bitcast3A_242 = vector.bitcast %shift_left3A_241 : vector<16xi32> to vector<16xf32>
          %and3A_243 = arith.constant -65536 : i32
          %and3A_244 = vector.broadcast %and3A_243 : i32 to vector<16xi32>
          %and3A_245 = arith.andi %get3A_238, %and3A_244 : vector<16xi32>
          %bitcast3A_246 = vector.bitcast %and3A_245 : vector<16xi32> to vector<16xf32>
          %add3A_247 = arith.addf %add3A_217, %bitcast3A_242 : vector<16xf32>
          %add3A_248 = arith.addf %add3A_218, %bitcast3A_246 : vector<16xf32>
          scf.yield %add3A_232, %add3A_233, %add3A_247, %add3A_248 : vector<16xf32>, vector<16xf32>, vector<16xf32>, vector<16xf32>
        }
        %scan3A_70 = arith.constant 10 : i32
        %swap3A = arith.index_cast %scan3A_54 : i32 to index
        %swap3A_71 = arith.constant 0 : index
        %swap3A_72 = tpu.vector_load %arg9[%swap3A, %swap3A_71] {strides = array<i32>} : memref<16x128xf32, #tpu.memory_space<vmem>>, vector<16xf32>,
        tpu.vector_store %arg9[%swap3A, %swap3A_71], %scan3A_63#0 {strides = array<i32>} : memref<16x128xf32, #tpu.memory_space<vmem>>, vector<16xf32>,
        %swap3A_73 = arith.index_cast %scan3A_54 : i32 to index
        %swap3A_74 = arith.constant 64 : index
        %swap3A_75 = tpu.vector_load %arg9[%swap3A_73, %swap3A_74] {strides = array<i32>} : memref<16x128xf32, #tpu.memory_space<vmem>>, vector<16xf32>,
        tpu.vector_store %arg9[%swap3A_73, %swap3A_74], %scan3A_69#0 {strides = array<i32>} : memref<16x128xf32, #tpu.memory_space<vmem>>, vector<16xf32>,
        %swap3A_76 = arith.index_cast %scan3A_54 : i32 to index
        %swap3A_77 = arith.constant 16 : index
        %swap3A_78 = tpu.vector_load %arg9[%swap3A_76, %swap3A_77] {strides = array<i32>} : memref<16x128xf32, #tpu.memory_space<vmem>>, vector<16xf32>,
        tpu.vector_store %arg9[%swap3A_76, %swap3A_77], %scan3A_63#1 {strides = array<i32>} : memref<16x128xf32, #tpu.memory_space<vmem>>, vector<16xf32>,
        %swap3A_79 = arith.index_cast %scan3A_54 : i32 to index
        %swap3A_80 = arith.constant 80 : index
        %swap3A_81 = tpu.vector_load %arg9[%swap3A_79, %swap3A_80] {strides = array<i32>} : memref<16x128xf32, #tpu.memory_space<vmem>>, vector<16xf32>,
        tpu.vector_store %arg9[%swap3A_79, %swap3A_80], %scan3A_69#1 {strides = array<i32>} : memref<16x128xf32, #tpu.memory_space<vmem>>, vector<16xf32>,
        %swap3A_82 = arith.index_cast %scan3A_54 : i32 to index
        %swap3A_83 = arith.constant 32 : index
        %swap3A_84 = tpu.vector_load %arg9[%swap3A_82, %swap3A_83] {strides = array<i32>} : memref<16x128xf32, #tpu.memory_space<vmem>>, vector<16xf32>,
        tpu.vector_store %arg9[%swap3A_82, %swap3A_83], %scan3A_63#2 {strides = array<i32>} : memref<16x128xf32, #tpu.memory_space<vmem>>, vector<16xf32>,
        %swap3A_85 = arith.index_cast %scan3A_54 : i32 to index
        %swap3A_86 = arith.constant 96 : index
        %swap3A_87 = tpu.vector_load %arg9[%swap3A_85, %swap3A_86] {strides = array<i32>} : memref<16x128xf32, #tpu.memory_space<vmem>>, vector<16xf32>,
        tpu.vector_store %arg9[%swap3A_85, %swap3A_86], %scan3A_69#2 {strides = array<i32>} : memref<16x128xf32, #tpu.memory_space<vmem>>, vector<16xf32>,
        %swap3A_88 = arith.index_cast %scan3A_54 : i32 to index
        %swap3A_89 = arith.constant 48 : index
        %swap3A_90 = tpu.vector_load %arg9[%swap3A_88, %swap3A_89] {strides = array<i32>} : memref<16x128xf32, #tpu.memory_space<vmem>>, vector<16xf32>,
        tpu.vector_store %arg9[%swap3A_88, %swap3A_89], %scan3A_63#3 {strides = array<i32>} : memref<16x128xf32, #tpu.memory_space<vmem>>, vector<16xf32>,
        %swap3A_91 = arith.index_cast %scan3A_54 : i32 to index
        %swap3A_92 = arith.constant 112 : index
        %swap3A_93 = tpu.vector_load %arg9[%swap3A_91, %swap3A_92] {strides = array<i32>} : memref<16x128xf32, #tpu.memory_space<vmem>>, vector<16xf32>,
        tpu.vector_store %arg9[%swap3A_91, %swap3A_92], %scan3A_69#3 {strides = array<i32>} : memref<16x128xf32, #tpu.memory_space<vmem>>, vector<16xf32>,
        %scan3A_94 = arith.constant 0 : i32
        scf.yield %scan3A_94 : i32
      }
      %scan3A_33 = arith.constant 16 : i32
      %mul3A_34 = arith.constant 16 : i32
      %mul3A_35 = arith.muli %mul3A_16, %mul3A_34 : i32
      %add3A_36 = arith.addi %mul3A_2, %mul3A_35 : i32
      "tpu.region"() ({
        %run_scoped3A = tpu.sem_alloc : memref<!tpu.dma_semaphore, #tpu.memory_space<semaphore_mem>>
        %dma_start3A_54 = arith.constant 0 : i32
        %dma_start3A_55 = tpu.memref_slice %arg4[%add3A_36, %dma_start3A_54] : memref<16384x128xf32, #tpu.memory_space<hbm>> -> memref<16x128xf32, #tpu.memory_space<hbm>>
        %dma_start3A_56 = arith.constant 0 : i32
        %dma_start3A_57 = tpu.memref_slice %arg4[%add3A_36, %dma_start3A_56] : memref<16384x128xf32, #tpu.memory_space<hbm>> -> memref<16x128xf32, #tpu.memory_space<hbm>>
        tpu.enqueue_dma source(%arg9 : memref<16x128xf32, #tpu.memory_space<vmem>>) target(%dma_start3A_57 : memref<16x128xf32, #tpu.memory_space<hbm>>) target_semaphore(%run_scoped3A : memref<!tpu.dma_semaphore, #tpu.memory_space<semaphore_mem>>)
        %dma_wait3A_58 = arith.constant 0 : i32
        %dma_wait3A_59 = tpu.memref_slice %arg4[%add3A_36, %dma_wait3A_58] : memref<16384x128xf32, #tpu.memory_space<hbm>> -> memref<16x128xf32, #tpu.memory_space<hbm>>
        %dma_wait3A_60 = arith.constant 0 : i32
        %dma_wait3A_61 = tpu.memref_slice %arg4[%add3A_36, %dma_wait3A_60] : memref<16384x128xf32, #tpu.memory_space<hbm>> -> memref<16x128xf32, #tpu.memory_space<hbm>>
        tpu.wait_dma2 semaphore(%run_scoped3A : memref<!tpu.dma_semaphore, #tpu.memory_space<semaphore_mem>>) src(%arg9 : memref<16x128xf32, #tpu.memory_space<vmem>>) dst(%dma_wait3A_61 : memref<16x128xf32, #tpu.memory_space<hbm>>)
        tpu.yield
      }) : () -> ()
      %lt3A = arith.constant 15 : i32
      %lt3A_37 = arith.cmpi slt, %scan3A_14, %lt3A : i32
      %convert_element_type3A = arith.extui %lt3A_37 : i1 to i32
      %cond3A = arith.constant 0 : i32
      %cond3A_38 = arith.cmpi ne, %convert_element_type3A, %cond3A : i32
      scf.if %cond3A_38 {
        %add3A_54 = arith.constant 2 : i32
        %add3A_55 = arith.addi %mul3A_16, %add3A_54 : i32
        %mul3A_56 = arith.constant 1120 : i32
        %mul3A_57 = arith.muli %add3A_55, %mul3A_56 : i32
        %add3A_58 = arith.addi %mul3A_4, %mul3A_57 : i32
        "tpu.region"() ({
          %run_scoped3A = tpu.sem_alloc : memref<!tpu.dma_semaphore, #tpu.memory_space<semaphore_mem>>
          %dma_start3A_62 = tpu.memref_slice %arg2[%add3A_58] : memref<1146880xi32, #tpu.memory_space<hbm>> -> memref<1120xi32, #tpu.memory_space<hbm>>
          %dma_start3A_63 = tpu.memref_slice %arg2[%add3A_58] : memref<1146880xi32, #tpu.memory_space<hbm>> -> memref<1120xi32, #tpu.memory_space<hbm>>
          tpu.enqueue_dma source(%dma_start3A_63 : memref<1120xi32, #tpu.memory_space<hbm>>) target(%arg5 : memref<1120xi32, #tpu.memory_space<vmem>>) target_semaphore(%run_scoped3A : memref<!tpu.dma_semaphore, #tpu.memory_space<semaphore_mem>>)
          %dma_wait3A_64 = tpu.memref_slice %arg2[%add3A_58] : memref<1146880xi32, #tpu.memory_space<hbm>> -> memref<1120xi32, #tpu.memory_space<hbm>>
          %dma_wait3A_65 = tpu.memref_slice %arg2[%add3A_58] : memref<1146880xi32, #tpu.memory_space<hbm>> -> memref<1120xi32, #tpu.memory_space<hbm>>
          tpu.wait_dma2 semaphore(%run_scoped3A : memref<!tpu.dma_semaphore, #tpu.memory_space<semaphore_mem>>) src(%dma_wait3A_65 : memref<1120xi32, #tpu.memory_space<hbm>>) dst(%arg5 : memref<1120xi32, #tpu.memory_space<vmem>>)
          tpu.yield
        }) : () -> ()
        %dma_start3A_59 = arith.constant 0 : i32
        %dma_start3A_60 = arith.constant 0 : i32
        %dma_start3A_61 = tpu.memref_slice %arg3[%dma_start3A_59, %dma_start3A_60] : memref<1015808x32xi32, #tpu.memory_space<hbm>> -> memref<1015808x32xi32, #tpu.memory_space<hbm>>
        tpu.enqueue_indirect_dma source(%dma_start3A_61 : memref<1015808x32xi32, #tpu.memory_space<hbm>>) target(%arg7 : memref<1120x32xi32, #tpu.memory_space<vmem>>) offsets(%arg5 : memref<1120xi32, #tpu.memory_space<vmem>>) semaphore(%arg11 : memref<!tpu.dma_semaphore, #tpu.memory_space<semaphore_mem>>)
      } else {
      }
      %dma_wait3A_39 = arith.constant 0 : i32
      %dma_wait3A_40 = arith.constant 0 : i32
      %dma_wait3A_41 = tpu.memref_slice %arg3[%dma_wait3A_39, %dma_wait3A_40] : memref<1015808x32xi32, #tpu.memory_space<hbm>> -> memref<1015808x32xi32, #tpu.memory_space<hbm>>
      tpu.wait_indirect_dma semaphore(%arg12 : memref<!tpu.dma_semaphore, #tpu.memory_space<semaphore_mem>>) src(%dma_wait3A_41 : memref<1015808x32xi32, #tpu.memory_space<hbm>>) dst(%arg8 : memref<1120x32xi32, #tpu.memory_space<vmem>>)
      %add3A_42 = arith.constant 1 : i32
      %add3A_43 = arith.addi %mul3A_16, %add3A_42 : i32
      %scan3A_44 = arith.constant 0 : i32
      %scan3A_45 = arith.constant 0 : i32
      %scan3A_46 = arith.constant 16 : i32
      %scan3A_47 = arith.addi %scan3A_45, %scan3A_46 : i32
      %scan3A_48 = arith.constant 1 : i32
      %scan3A_49 = scf.for %scan3A_54 = %scan3A_45 to %scan3A_47 step %scan3A_48 iter_args(%scan3A_55 = %scan3A_44) -> (i32)  : i32 {
        %mul3A_56 = arith.constant 70 : i32
        %mul3A_57 = arith.muli %scan3A_54, %mul3A_56 : i32
        %broadcast_in_dim3A = arith.constant 0.000000e+00 : f32
        %broadcast_in_dim3A_58 = vector.broadcast %broadcast_in_dim3A : f32 to vector<16xf32>
        %scan3A_59 = arith.constant 0 : i32
        %scan3A_60 = arith.constant 4 : i32
        %scan3A_61 = arith.addi %scan3A_59, %scan3A_60 : i32
        %scan3A_62 = arith.constant 1 : i32
        %scan3A_63:4 = scf.for %scan3A_95 = %scan3A_59 to %scan3A_61 step %scan3A_62 iter_args(%scan3A_96 = %broadcast_in_dim3A_58, %scan3A_97 = %broadcast_in_dim3A_58, %scan3A_98 = %broadcast_in_dim3A_58, %scan3A_99 = %broadcast_in_dim3A_58) -> (vector<16xf32>, vector<16xf32>, vector<16xf32>, vector<16xf32>)  : i32 {
          %mul3A_100 = arith.constant 5 : i32
          %mul3A_101 = arith.muli %scan3A_95, %mul3A_100 : i32
          %add3A_102 = arith.addi %mul3A_57, %mul3A_101 : i32
          %add3A_103 = arith.constant 0 : i32
          %add3A_104 = arith.addi %add3A_102, %add3A_103 : i32
          %get3A = arith.index_cast %add3A_104 : i32 to index
          %get3A_105 = arith.constant 0 : index
          %get3A_106 = tpu.vector_load %arg8[%get3A, %get3A_105] {strides = array<i32>} : memref<1120x32xi32, #tpu.memory_space<vmem>>, vector<16xi32>,
          %shift_left3A = arith.constant 16 : i32
          %shift_left3A_107 = vector.broadcast %shift_left3A : i32 to vector<16xi32>
          %shift_left3A_108 = arith.shli %get3A_106, %shift_left3A_107 : vector<16xi32>
          %bitcast3A = vector.bitcast %shift_left3A_108 : vector<16xi32> to vector<16xf32>
          %and3A = arith.constant -65536 : i32
          %and3A_109 = vector.broadcast %and3A : i32 to vector<16xi32>
          %and3A_110 = arith.andi %get3A_106, %and3A_109 : vector<16xi32>
          %bitcast3A_111 = vector.bitcast %and3A_110 : vector<16xi32> to vector<16xf32>
          %add3A_112 = arith.addf %scan3A_96, %bitcast3A : vector<16xf32>
          %add3A_113 = arith.addf %scan3A_97, %bitcast3A_111 : vector<16xf32>
          %add3A_114 = arith.constant 0 : i32
          %add3A_115 = arith.addi %add3A_102, %add3A_114 : i32
          %get3A_116 = arith.index_cast %add3A_115 : i32 to index
          %get3A_117 = arith.constant 16 : index
          %get3A_118 = tpu.vector_load %arg8[%get3A_116, %get3A_117] {strides = array<i32>} : memref<1120x32xi32, #tpu.memory_space<vmem>>, vector<16xi32>,
          %shift_left3A_119 = arith.constant 16 : i32
          %shift_left3A_120 = vector.broadcast %shift_left3A_119 : i32 to vector<16xi32>
          %shift_left3A_121 = arith.shli %get3A_118, %shift_left3A_120 : vector<16xi32>
          %bitcast3A_122 = vector.bitcast %shift_left3A_121 : vector<16xi32> to vector<16xf32>
          %and3A_123 = arith.constant -65536 : i32
          %and3A_124 = vector.broadcast %and3A_123 : i32 to vector<16xi32>
          %and3A_125 = arith.andi %get3A_118, %and3A_124 : vector<16xi32>
          %bitcast3A_126 = vector.bitcast %and3A_125 : vector<16xi32> to vector<16xf32>
          %add3A_127 = arith.addf %scan3A_98, %bitcast3A_122 : vector<16xf32>
          %add3A_128 = arith.addf %scan3A_99, %bitcast3A_126 : vector<16xf32>
          %add3A_129 = arith.constant 1 : i32
          %add3A_130 = arith.addi %add3A_102, %add3A_129 : i32
          %get3A_131 = arith.index_cast %add3A_130 : i32 to index
          %get3A_132 = arith.constant 0 : index
          %get3A_133 = tpu.vector_load %arg8[%get3A_131, %get3A_132] {strides = array<i32>} : memref<1120x32xi32, #tpu.memory_space<vmem>>, vector<16xi32>,
          %shift_left3A_134 = arith.constant 16 : i32
          %shift_left3A_135 = vector.broadcast %shift_left3A_134 : i32 to vector<16xi32>
          %shift_left3A_136 = arith.shli %get3A_133, %shift_left3A_135 : vector<16xi32>
          %bitcast3A_137 = vector.bitcast %shift_left3A_136 : vector<16xi32> to vector<16xf32>
          %and3A_138 = arith.constant -65536 : i32
          %and3A_139 = vector.broadcast %and3A_138 : i32 to vector<16xi32>
          %and3A_140 = arith.andi %get3A_133, %and3A_139 : vector<16xi32>
          %bitcast3A_141 = vector.bitcast %and3A_140 : vector<16xi32> to vector<16xf32>
          %add3A_142 = arith.addf %add3A_112, %bitcast3A_137 : vector<16xf32>
          %add3A_143 = arith.addf %add3A_113, %bitcast3A_141 : vector<16xf32>
          %add3A_144 = arith.constant 1 : i32
          %add3A_145 = arith.addi %add3A_102, %add3A_144 : i32
          %get3A_146 = arith.index_cast %add3A_145 : i32 to index
          %get3A_147 = arith.constant 16 : index
          %get3A_148 = tpu.vector_load %arg8[%get3A_146, %get3A_147] {strides = array<i32>} : memref<1120x32xi32, #tpu.memory_space<vmem>>, vector<16xi32>,
          %shift_left3A_149 = arith.constant 16 : i32
          %shift_left3A_150 = vector.broadcast %shift_left3A_149 : i32 to vector<16xi32>
          %shift_left3A_151 = arith.shli %get3A_148, %shift_left3A_150 : vector<16xi32>
          %bitcast3A_152 = vector.bitcast %shift_left3A_151 : vector<16xi32> to vector<16xf32>
          %and3A_153 = arith.constant -65536 : i32
          %and3A_154 = vector.broadcast %and3A_153 : i32 to vector<16xi32>
          %and3A_155 = arith.andi %get3A_148, %and3A_154 : vector<16xi32>
          %bitcast3A_156 = vector.bitcast %and3A_155 : vector<16xi32> to vector<16xf32>
          %add3A_157 = arith.addf %add3A_127, %bitcast3A_152 : vector<16xf32>
          %add3A_158 = arith.addf %add3A_128, %bitcast3A_156 : vector<16xf32>
          %add3A_159 = arith.constant 2 : i32
          %add3A_160 = arith.addi %add3A_102, %add3A_159 : i32
          %get3A_161 = arith.index_cast %add3A_160 : i32 to index
          %get3A_162 = arith.constant 0 : index
          %get3A_163 = tpu.vector_load %arg8[%get3A_161, %get3A_162] {strides = array<i32>} : memref<1120x32xi32, #tpu.memory_space<vmem>>, vector<16xi32>,
          %shift_left3A_164 = arith.constant 16 : i32
          %shift_left3A_165 = vector.broadcast %shift_left3A_164 : i32 to vector<16xi32>
          %shift_left3A_166 = arith.shli %get3A_163, %shift_left3A_165 : vector<16xi32>
          %bitcast3A_167 = vector.bitcast %shift_left3A_166 : vector<16xi32> to vector<16xf32>
          %and3A_168 = arith.constant -65536 : i32
          %and3A_169 = vector.broadcast %and3A_168 : i32 to vector<16xi32>
          %and3A_170 = arith.andi %get3A_163, %and3A_169 : vector<16xi32>
          %bitcast3A_171 = vector.bitcast %and3A_170 : vector<16xi32> to vector<16xf32>
          %add3A_172 = arith.addf %add3A_142, %bitcast3A_167 : vector<16xf32>
          %add3A_173 = arith.addf %add3A_143, %bitcast3A_171 : vector<16xf32>
          %add3A_174 = arith.constant 2 : i32
          %add3A_175 = arith.addi %add3A_102, %add3A_174 : i32
          %get3A_176 = arith.index_cast %add3A_175 : i32 to index
          %get3A_177 = arith.constant 16 : index
          %get3A_178 = tpu.vector_load %arg8[%get3A_176, %get3A_177] {strides = array<i32>} : memref<1120x32xi32, #tpu.memory_space<vmem>>, vector<16xi32>,
          %shift_left3A_179 = arith.constant 16 : i32
          %shift_left3A_180 = vector.broadcast %shift_left3A_179 : i32 to vector<16xi32>
          %shift_left3A_181 = arith.shli %get3A_178, %shift_left3A_180 : vector<16xi32>
          %bitcast3A_182 = vector.bitcast %shift_left3A_181 : vector<16xi32> to vector<16xf32>
          %and3A_183 = arith.constant -65536 : i32
          %and3A_184 = vector.broadcast %and3A_183 : i32 to vector<16xi32>
          %and3A_185 = arith.andi %get3A_178, %and3A_184 : vector<16xi32>
          %bitcast3A_186 = vector.bitcast %and3A_185 : vector<16xi32> to vector<16xf32>
          %add3A_187 = arith.addf %add3A_157, %bitcast3A_182 : vector<16xf32>
          %add3A_188 = arith.addf %add3A_158, %bitcast3A_186 : vector<16xf32>
          %add3A_189 = arith.constant 3 : i32
          %add3A_190 = arith.addi %add3A_102, %add3A_189 : i32
          %get3A_191 = arith.index_cast %add3A_190 : i32 to index
          %get3A_192 = arith.constant 0 : index
          %get3A_193 = tpu.vector_load %arg8[%get3A_191, %get3A_192] {strides = array<i32>} : memref<1120x32xi32, #tpu.memory_space<vmem>>, vector<16xi32>,
          %shift_left3A_194 = arith.constant 16 : i32
          %shift_left3A_195 = vector.broadcast %shift_left3A_194 : i32 to vector<16xi32>
          %shift_left3A_196 = arith.shli %get3A_193, %shift_left3A_195 : vector<16xi32>
          %bitcast3A_197 = vector.bitcast %shift_left3A_196 : vector<16xi32> to vector<16xf32>
          %and3A_198 = arith.constant -65536 : i32
          %and3A_199 = vector.broadcast %and3A_198 : i32 to vector<16xi32>
          %and3A_200 = arith.andi %get3A_193, %and3A_199 : vector<16xi32>
          %bitcast3A_201 = vector.bitcast %and3A_200 : vector<16xi32> to vector<16xf32>
          %add3A_202 = arith.addf %add3A_172, %bitcast3A_197 : vector<16xf32>
          %add3A_203 = arith.addf %add3A_173, %bitcast3A_201 : vector<16xf32>
          %add3A_204 = arith.constant 3 : i32
          %add3A_205 = arith.addi %add3A_102, %add3A_204 : i32
          %get3A_206 = arith.index_cast %add3A_205 : i32 to index
          %get3A_207 = arith.constant 16 : index
          %get3A_208 = tpu.vector_load %arg8[%get3A_206, %get3A_207] {strides = array<i32>} : memref<1120x32xi32, #tpu.memory_space<vmem>>, vector<16xi32>,
          %shift_left3A_209 = arith.constant 16 : i32
          %shift_left3A_210 = vector.broadcast %shift_left3A_209 : i32 to vector<16xi32>
          %shift_left3A_211 = arith.shli %get3A_208, %shift_left3A_210 : vector<16xi32>
          %bitcast3A_212 = vector.bitcast %shift_left3A_211 : vector<16xi32> to vector<16xf32>
          %and3A_213 = arith.constant -65536 : i32
          %and3A_214 = vector.broadcast %and3A_213 : i32 to vector<16xi32>
          %and3A_215 = arith.andi %get3A_208, %and3A_214 : vector<16xi32>
          %bitcast3A_216 = vector.bitcast %and3A_215 : vector<16xi32> to vector<16xf32>
          %add3A_217 = arith.addf %add3A_187, %bitcast3A_212 : vector<16xf32>
          %add3A_218 = arith.addf %add3A_188, %bitcast3A_216 : vector<16xf32>
          %add3A_219 = arith.constant 4 : i32
          %add3A_220 = arith.addi %add3A_102, %add3A_219 : i32
          %get3A_221 = arith.index_cast %add3A_220 : i32 to index
          %get3A_222 = arith.constant 0 : index
          %get3A_223 = tpu.vector_load %arg8[%get3A_221, %get3A_222] {strides = array<i32>} : memref<1120x32xi32, #tpu.memory_space<vmem>>, vector<16xi32>,
          %shift_left3A_224 = arith.constant 16 : i32
          %shift_left3A_225 = vector.broadcast %shift_left3A_224 : i32 to vector<16xi32>
          %shift_left3A_226 = arith.shli %get3A_223, %shift_left3A_225 : vector<16xi32>
          %bitcast3A_227 = vector.bitcast %shift_left3A_226 : vector<16xi32> to vector<16xf32>
          %and3A_228 = arith.constant -65536 : i32
          %and3A_229 = vector.broadcast %and3A_228 : i32 to vector<16xi32>
          %and3A_230 = arith.andi %get3A_223, %and3A_229 : vector<16xi32>
          %bitcast3A_231 = vector.bitcast %and3A_230 : vector<16xi32> to vector<16xf32>
          %add3A_232 = arith.addf %add3A_202, %bitcast3A_227 : vector<16xf32>
          %add3A_233 = arith.addf %add3A_203, %bitcast3A_231 : vector<16xf32>
          %add3A_234 = arith.constant 4 : i32
          %add3A_235 = arith.addi %add3A_102, %add3A_234 : i32
          %get3A_236 = arith.index_cast %add3A_235 : i32 to index
          %get3A_237 = arith.constant 16 : index
          %get3A_238 = tpu.vector_load %arg8[%get3A_236, %get3A_237] {strides = array<i32>} : memref<1120x32xi32, #tpu.memory_space<vmem>>, vector<16xi32>,
          %shift_left3A_239 = arith.constant 16 : i32
          %shift_left3A_240 = vector.broadcast %shift_left3A_239 : i32 to vector<16xi32>
          %shift_left3A_241 = arith.shli %get3A_238, %shift_left3A_240 : vector<16xi32>
          %bitcast3A_242 = vector.bitcast %shift_left3A_241 : vector<16xi32> to vector<16xf32>
          %and3A_243 = arith.constant -65536 : i32
          %and3A_244 = vector.broadcast %and3A_243 : i32 to vector<16xi32>
          %and3A_245 = arith.andi %get3A_238, %and3A_244 : vector<16xi32>
          %bitcast3A_246 = vector.bitcast %and3A_245 : vector<16xi32> to vector<16xf32>
          %add3A_247 = arith.addf %add3A_217, %bitcast3A_242 : vector<16xf32>
          %add3A_248 = arith.addf %add3A_218, %bitcast3A_246 : vector<16xf32>
          scf.yield %add3A_232, %add3A_233, %add3A_247, %add3A_248 : vector<16xf32>, vector<16xf32>, vector<16xf32>, vector<16xf32>
        }
        %scan3A_64 = arith.constant 4 : i32
        %scan3A_65 = arith.constant 4 : i32
        %scan3A_66 = arith.constant 10 : i32
        %scan3A_67 = arith.addi %scan3A_65, %scan3A_66 : i32
        %scan3A_68 = arith.constant 1 : i32
        %scan3A_69:4 = scf.for %scan3A_95 = %scan3A_65 to %scan3A_67 step %scan3A_68 iter_args(%scan3A_96 = %broadcast_in_dim3A_58, %scan3A_97 = %broadcast_in_dim3A_58, %scan3A_98 = %broadcast_in_dim3A_58, %scan3A_99 = %broadcast_in_dim3A_58) -> (vector<16xf32>, vector<16xf32>, vector<16xf32>, vector<16xf32>)  : i32 {
          %mul3A_100 = arith.constant 5 : i32
          %mul3A_101 = arith.muli %scan3A_95, %mul3A_100 : i32
          %add3A_102 = arith.addi %mul3A_57, %mul3A_101 : i32
          %add3A_103 = arith.constant 0 : i32
          %add3A_104 = arith.addi %add3A_102, %add3A_103 : i32
          %get3A = arith.index_cast %add3A_104 : i32 to index
          %get3A_105 = arith.constant 0 : index
          %get3A_106 = tpu.vector_load %arg8[%get3A, %get3A_105] {strides = array<i32>} : memref<1120x32xi32, #tpu.memory_space<vmem>>, vector<16xi32>,
          %shift_left3A = arith.constant 16 : i32
          %shift_left3A_107 = vector.broadcast %shift_left3A : i32 to vector<16xi32>
          %shift_left3A_108 = arith.shli %get3A_106, %shift_left3A_107 : vector<16xi32>
          %bitcast3A = vector.bitcast %shift_left3A_108 : vector<16xi32> to vector<16xf32>
          %and3A = arith.constant -65536 : i32
          %and3A_109 = vector.broadcast %and3A : i32 to vector<16xi32>
          %and3A_110 = arith.andi %get3A_106, %and3A_109 : vector<16xi32>
          %bitcast3A_111 = vector.bitcast %and3A_110 : vector<16xi32> to vector<16xf32>
          %add3A_112 = arith.addf %scan3A_96, %bitcast3A : vector<16xf32>
          %add3A_113 = arith.addf %scan3A_97, %bitcast3A_111 : vector<16xf32>
          %add3A_114 = arith.constant 0 : i32
          %add3A_115 = arith.addi %add3A_102, %add3A_114 : i32
          %get3A_116 = arith.index_cast %add3A_115 : i32 to index
          %get3A_117 = arith.constant 16 : index
          %get3A_118 = tpu.vector_load %arg8[%get3A_116, %get3A_117] {strides = array<i32>} : memref<1120x32xi32, #tpu.memory_space<vmem>>, vector<16xi32>,
          %shift_left3A_119 = arith.constant 16 : i32
          %shift_left3A_120 = vector.broadcast %shift_left3A_119 : i32 to vector<16xi32>
          %shift_left3A_121 = arith.shli %get3A_118, %shift_left3A_120 : vector<16xi32>
          %bitcast3A_122 = vector.bitcast %shift_left3A_121 : vector<16xi32> to vector<16xf32>
          %and3A_123 = arith.constant -65536 : i32
          %and3A_124 = vector.broadcast %and3A_123 : i32 to vector<16xi32>
          %and3A_125 = arith.andi %get3A_118, %and3A_124 : vector<16xi32>
          %bitcast3A_126 = vector.bitcast %and3A_125 : vector<16xi32> to vector<16xf32>
          %add3A_127 = arith.addf %scan3A_98, %bitcast3A_122 : vector<16xf32>
          %add3A_128 = arith.addf %scan3A_99, %bitcast3A_126 : vector<16xf32>
          %add3A_129 = arith.constant 1 : i32
          %add3A_130 = arith.addi %add3A_102, %add3A_129 : i32
          %get3A_131 = arith.index_cast %add3A_130 : i32 to index
          %get3A_132 = arith.constant 0 : index
          %get3A_133 = tpu.vector_load %arg8[%get3A_131, %get3A_132] {strides = array<i32>} : memref<1120x32xi32, #tpu.memory_space<vmem>>, vector<16xi32>,
          %shift_left3A_134 = arith.constant 16 : i32
          %shift_left3A_135 = vector.broadcast %shift_left3A_134 : i32 to vector<16xi32>
          %shift_left3A_136 = arith.shli %get3A_133, %shift_left3A_135 : vector<16xi32>
          %bitcast3A_137 = vector.bitcast %shift_left3A_136 : vector<16xi32> to vector<16xf32>
          %and3A_138 = arith.constant -65536 : i32
          %and3A_139 = vector.broadcast %and3A_138 : i32 to vector<16xi32>
          %and3A_140 = arith.andi %get3A_133, %and3A_139 : vector<16xi32>
          %bitcast3A_141 = vector.bitcast %and3A_140 : vector<16xi32> to vector<16xf32>
          %add3A_142 = arith.addf %add3A_112, %bitcast3A_137 : vector<16xf32>
          %add3A_143 = arith.addf %add3A_113, %bitcast3A_141 : vector<16xf32>
          %add3A_144 = arith.constant 1 : i32
          %add3A_145 = arith.addi %add3A_102, %add3A_144 : i32
          %get3A_146 = arith.index_cast %add3A_145 : i32 to index
          %get3A_147 = arith.constant 16 : index
          %get3A_148 = tpu.vector_load %arg8[%get3A_146, %get3A_147] {strides = array<i32>} : memref<1120x32xi32, #tpu.memory_space<vmem>>, vector<16xi32>,
          %shift_left3A_149 = arith.constant 16 : i32
          %shift_left3A_150 = vector.broadcast %shift_left3A_149 : i32 to vector<16xi32>
          %shift_left3A_151 = arith.shli %get3A_148, %shift_left3A_150 : vector<16xi32>
          %bitcast3A_152 = vector.bitcast %shift_left3A_151 : vector<16xi32> to vector<16xf32>
          %and3A_153 = arith.constant -65536 : i32
          %and3A_154 = vector.broadcast %and3A_153 : i32 to vector<16xi32>
          %and3A_155 = arith.andi %get3A_148, %and3A_154 : vector<16xi32>
          %bitcast3A_156 = vector.bitcast %and3A_155 : vector<16xi32> to vector<16xf32>
          %add3A_157 = arith.addf %add3A_127, %bitcast3A_152 : vector<16xf32>
          %add3A_158 = arith.addf %add3A_128, %bitcast3A_156 : vector<16xf32>
          %add3A_159 = arith.constant 2 : i32
          %add3A_160 = arith.addi %add3A_102, %add3A_159 : i32
          %get3A_161 = arith.index_cast %add3A_160 : i32 to index
          %get3A_162 = arith.constant 0 : index
          %get3A_163 = tpu.vector_load %arg8[%get3A_161, %get3A_162] {strides = array<i32>} : memref<1120x32xi32, #tpu.memory_space<vmem>>, vector<16xi32>,
          %shift_left3A_164 = arith.constant 16 : i32
          %shift_left3A_165 = vector.broadcast %shift_left3A_164 : i32 to vector<16xi32>
          %shift_left3A_166 = arith.shli %get3A_163, %shift_left3A_165 : vector<16xi32>
          %bitcast3A_167 = vector.bitcast %shift_left3A_166 : vector<16xi32> to vector<16xf32>
          %and3A_168 = arith.constant -65536 : i32
          %and3A_169 = vector.broadcast %and3A_168 : i32 to vector<16xi32>
          %and3A_170 = arith.andi %get3A_163, %and3A_169 : vector<16xi32>
          %bitcast3A_171 = vector.bitcast %and3A_170 : vector<16xi32> to vector<16xf32>
          %add3A_172 = arith.addf %add3A_142, %bitcast3A_167 : vector<16xf32>
          %add3A_173 = arith.addf %add3A_143, %bitcast3A_171 : vector<16xf32>
          %add3A_174 = arith.constant 2 : i32
          %add3A_175 = arith.addi %add3A_102, %add3A_174 : i32
          %get3A_176 = arith.index_cast %add3A_175 : i32 to index
          %get3A_177 = arith.constant 16 : index
          %get3A_178 = tpu.vector_load %arg8[%get3A_176, %get3A_177] {strides = array<i32>} : memref<1120x32xi32, #tpu.memory_space<vmem>>, vector<16xi32>,
          %shift_left3A_179 = arith.constant 16 : i32
          %shift_left3A_180 = vector.broadcast %shift_left3A_179 : i32 to vector<16xi32>
          %shift_left3A_181 = arith.shli %get3A_178, %shift_left3A_180 : vector<16xi32>
          %bitcast3A_182 = vector.bitcast %shift_left3A_181 : vector<16xi32> to vector<16xf32>
          %and3A_183 = arith.constant -65536 : i32
          %and3A_184 = vector.broadcast %and3A_183 : i32 to vector<16xi32>
          %and3A_185 = arith.andi %get3A_178, %and3A_184 : vector<16xi32>
          %bitcast3A_186 = vector.bitcast %and3A_185 : vector<16xi32> to vector<16xf32>
          %add3A_187 = arith.addf %add3A_157, %bitcast3A_182 : vector<16xf32>
          %add3A_188 = arith.addf %add3A_158, %bitcast3A_186 : vector<16xf32>
          %add3A_189 = arith.constant 3 : i32
          %add3A_190 = arith.addi %add3A_102, %add3A_189 : i32
          %get3A_191 = arith.index_cast %add3A_190 : i32 to index
          %get3A_192 = arith.constant 0 : index
          %get3A_193 = tpu.vector_load %arg8[%get3A_191, %get3A_192] {strides = array<i32>} : memref<1120x32xi32, #tpu.memory_space<vmem>>, vector<16xi32>,
          %shift_left3A_194 = arith.constant 16 : i32
          %shift_left3A_195 = vector.broadcast %shift_left3A_194 : i32 to vector<16xi32>
          %shift_left3A_196 = arith.shli %get3A_193, %shift_left3A_195 : vector<16xi32>
          %bitcast3A_197 = vector.bitcast %shift_left3A_196 : vector<16xi32> to vector<16xf32>
          %and3A_198 = arith.constant -65536 : i32
          %and3A_199 = vector.broadcast %and3A_198 : i32 to vector<16xi32>
          %and3A_200 = arith.andi %get3A_193, %and3A_199 : vector<16xi32>
          %bitcast3A_201 = vector.bitcast %and3A_200 : vector<16xi32> to vector<16xf32>
          %add3A_202 = arith.addf %add3A_172, %bitcast3A_197 : vector<16xf32>
          %add3A_203 = arith.addf %add3A_173, %bitcast3A_201 : vector<16xf32>
          %add3A_204 = arith.constant 3 : i32
          %add3A_205 = arith.addi %add3A_102, %add3A_204 : i32
          %get3A_206 = arith.index_cast %add3A_205 : i32 to index
          %get3A_207 = arith.constant 16 : index
          %get3A_208 = tpu.vector_load %arg8[%get3A_206, %get3A_207] {strides = array<i32>} : memref<1120x32xi32, #tpu.memory_space<vmem>>, vector<16xi32>,
          %shift_left3A_209 = arith.constant 16 : i32
          %shift_left3A_210 = vector.broadcast %shift_left3A_209 : i32 to vector<16xi32>
          %shift_left3A_211 = arith.shli %get3A_208, %shift_left3A_210 : vector<16xi32>
          %bitcast3A_212 = vector.bitcast %shift_left3A_211 : vector<16xi32> to vector<16xf32>
          %and3A_213 = arith.constant -65536 : i32
          %and3A_214 = vector.broadcast %and3A_213 : i32 to vector<16xi32>
          %and3A_215 = arith.andi %get3A_208, %and3A_214 : vector<16xi32>
          %bitcast3A_216 = vector.bitcast %and3A_215 : vector<16xi32> to vector<16xf32>
          %add3A_217 = arith.addf %add3A_187, %bitcast3A_212 : vector<16xf32>
          %add3A_218 = arith.addf %add3A_188, %bitcast3A_216 : vector<16xf32>
          %add3A_219 = arith.constant 4 : i32
          %add3A_220 = arith.addi %add3A_102, %add3A_219 : i32
          %get3A_221 = arith.index_cast %add3A_220 : i32 to index
          %get3A_222 = arith.constant 0 : index
          %get3A_223 = tpu.vector_load %arg8[%get3A_221, %get3A_222] {strides = array<i32>} : memref<1120x32xi32, #tpu.memory_space<vmem>>, vector<16xi32>,
          %shift_left3A_224 = arith.constant 16 : i32
          %shift_left3A_225 = vector.broadcast %shift_left3A_224 : i32 to vector<16xi32>
          %shift_left3A_226 = arith.shli %get3A_223, %shift_left3A_225 : vector<16xi32>
          %bitcast3A_227 = vector.bitcast %shift_left3A_226 : vector<16xi32> to vector<16xf32>
          %and3A_228 = arith.constant -65536 : i32
          %and3A_229 = vector.broadcast %and3A_228 : i32 to vector<16xi32>
          %and3A_230 = arith.andi %get3A_223, %and3A_229 : vector<16xi32>
          %bitcast3A_231 = vector.bitcast %and3A_230 : vector<16xi32> to vector<16xf32>
          %add3A_232 = arith.addf %add3A_202, %bitcast3A_227 : vector<16xf32>
          %add3A_233 = arith.addf %add3A_203, %bitcast3A_231 : vector<16xf32>
          %add3A_234 = arith.constant 4 : i32
          %add3A_235 = arith.addi %add3A_102, %add3A_234 : i32
          %get3A_236 = arith.index_cast %add3A_235 : i32 to index
          %get3A_237 = arith.constant 16 : index
          %get3A_238 = tpu.vector_load %arg8[%get3A_236, %get3A_237] {strides = array<i32>} : memref<1120x32xi32, #tpu.memory_space<vmem>>, vector<16xi32>,
          %shift_left3A_239 = arith.constant 16 : i32
          %shift_left3A_240 = vector.broadcast %shift_left3A_239 : i32 to vector<16xi32>
          %shift_left3A_241 = arith.shli %get3A_238, %shift_left3A_240 : vector<16xi32>
          %bitcast3A_242 = vector.bitcast %shift_left3A_241 : vector<16xi32> to vector<16xf32>
          %and3A_243 = arith.constant -65536 : i32
          %and3A_244 = vector.broadcast %and3A_243 : i32 to vector<16xi32>
          %and3A_245 = arith.andi %get3A_238, %and3A_244 : vector<16xi32>
          %bitcast3A_246 = vector.bitcast %and3A_245 : vector<16xi32> to vector<16xf32>
          %add3A_247 = arith.addf %add3A_217, %bitcast3A_242 : vector<16xf32>
          %add3A_248 = arith.addf %add3A_218, %bitcast3A_246 : vector<16xf32>
          scf.yield %add3A_232, %add3A_233, %add3A_247, %add3A_248 : vector<16xf32>, vector<16xf32>, vector<16xf32>, vector<16xf32>
        }
        %scan3A_70 = arith.constant 10 : i32
        %swap3A = arith.index_cast %scan3A_54 : i32 to index
        %swap3A_71 = arith.constant 0 : index
        %swap3A_72 = tpu.vector_load %arg10[%swap3A, %swap3A_71] {strides = array<i32>} : memref<16x128xf32, #tpu.memory_space<vmem>>, vector<16xf32>,
        tpu.vector_store %arg10[%swap3A, %swap3A_71], %scan3A_63#0 {strides = array<i32>} : memref<16x128xf32, #tpu.memory_space<vmem>>, vector<16xf32>,
        %swap3A_73 = arith.index_cast %scan3A_54 : i32 to index
        %swap3A_74 = arith.constant 64 : index
        %swap3A_75 = tpu.vector_load %arg10[%swap3A_73, %swap3A_74] {strides = array<i32>} : memref<16x128xf32, #tpu.memory_space<vmem>>, vector<16xf32>,
        tpu.vector_store %arg10[%swap3A_73, %swap3A_74], %scan3A_69#0 {strides = array<i32>} : memref<16x128xf32, #tpu.memory_space<vmem>>, vector<16xf32>,
        %swap3A_76 = arith.index_cast %scan3A_54 : i32 to index
        %swap3A_77 = arith.constant 16 : index
        %swap3A_78 = tpu.vector_load %arg10[%swap3A_76, %swap3A_77] {strides = array<i32>} : memref<16x128xf32, #tpu.memory_space<vmem>>, vector<16xf32>,
        tpu.vector_store %arg10[%swap3A_76, %swap3A_77], %scan3A_63#1 {strides = array<i32>} : memref<16x128xf32, #tpu.memory_space<vmem>>, vector<16xf32>,
        %swap3A_79 = arith.index_cast %scan3A_54 : i32 to index
        %swap3A_80 = arith.constant 80 : index
        %swap3A_81 = tpu.vector_load %arg10[%swap3A_79, %swap3A_80] {strides = array<i32>} : memref<16x128xf32, #tpu.memory_space<vmem>>, vector<16xf32>,
        tpu.vector_store %arg10[%swap3A_79, %swap3A_80], %scan3A_69#1 {strides = array<i32>} : memref<16x128xf32, #tpu.memory_space<vmem>>, vector<16xf32>,
        %swap3A_82 = arith.index_cast %scan3A_54 : i32 to index
        %swap3A_83 = arith.constant 32 : index
        %swap3A_84 = tpu.vector_load %arg10[%swap3A_82, %swap3A_83] {strides = array<i32>} : memref<16x128xf32, #tpu.memory_space<vmem>>, vector<16xf32>,
        tpu.vector_store %arg10[%swap3A_82, %swap3A_83], %scan3A_63#2 {strides = array<i32>} : memref<16x128xf32, #tpu.memory_space<vmem>>, vector<16xf32>,
        %swap3A_85 = arith.index_cast %scan3A_54 : i32 to index
        %swap3A_86 = arith.constant 96 : index
        %swap3A_87 = tpu.vector_load %arg10[%swap3A_85, %swap3A_86] {strides = array<i32>} : memref<16x128xf32, #tpu.memory_space<vmem>>, vector<16xf32>,
        tpu.vector_store %arg10[%swap3A_85, %swap3A_86], %scan3A_69#2 {strides = array<i32>} : memref<16x128xf32, #tpu.memory_space<vmem>>, vector<16xf32>,
        %swap3A_88 = arith.index_cast %scan3A_54 : i32 to index
        %swap3A_89 = arith.constant 48 : index
        %swap3A_90 = tpu.vector_load %arg10[%swap3A_88, %swap3A_89] {strides = array<i32>} : memref<16x128xf32, #tpu.memory_space<vmem>>, vector<16xf32>,
        tpu.vector_store %arg10[%swap3A_88, %swap3A_89], %scan3A_63#3 {strides = array<i32>} : memref<16x128xf32, #tpu.memory_space<vmem>>, vector<16xf32>,
        %swap3A_91 = arith.index_cast %scan3A_54 : i32 to index
        %swap3A_92 = arith.constant 112 : index
        %swap3A_93 = tpu.vector_load %arg10[%swap3A_91, %swap3A_92] {strides = array<i32>} : memref<16x128xf32, #tpu.memory_space<vmem>>, vector<16xf32>,
        tpu.vector_store %arg10[%swap3A_91, %swap3A_92], %scan3A_69#3 {strides = array<i32>} : memref<16x128xf32, #tpu.memory_space<vmem>>, vector<16xf32>,
        %scan3A_94 = arith.constant 0 : i32
        scf.yield %scan3A_94 : i32
      }
      %scan3A_50 = arith.constant 16 : i32
      %mul3A_51 = arith.constant 16 : i32
      %mul3A_52 = arith.muli %add3A_43, %mul3A_51 : i32
      %add3A_53 = arith.addi %mul3A_2, %mul3A_52 : i32
      "tpu.region"() ({
        %run_scoped3A = tpu.sem_alloc : memref<!tpu.dma_semaphore, #tpu.memory_space<semaphore_mem>>
        %dma_start3A_54 = arith.constant 0 : i32
        %dma_start3A_55 = tpu.memref_slice %arg4[%add3A_53, %dma_start3A_54] : memref<16384x128xf32, #tpu.memory_space<hbm>> -> memref<16x128xf32, #tpu.memory_space<hbm>>
        %dma_start3A_56 = arith.constant 0 : i32
        %dma_start3A_57 = tpu.memref_slice %arg4[%add3A_53, %dma_start3A_56] : memref<16384x128xf32, #tpu.memory_space<hbm>> -> memref<16x128xf32, #tpu.memory_space<hbm>>
        tpu.enqueue_dma source(%arg10 : memref<16x128xf32, #tpu.memory_space<vmem>>) target(%dma_start3A_57 : memref<16x128xf32, #tpu.memory_space<hbm>>) target_semaphore(%run_scoped3A : memref<!tpu.dma_semaphore, #tpu.memory_space<semaphore_mem>>)
        %dma_wait3A_58 = arith.constant 0 : i32
        %dma_wait3A_59 = tpu.memref_slice %arg4[%add3A_53, %dma_wait3A_58] : memref<16384x128xf32, #tpu.memory_space<hbm>> -> memref<16x128xf32, #tpu.memory_space<hbm>>
        %dma_wait3A_60 = arith.constant 0 : i32
        %dma_wait3A_61 = tpu.memref_slice %arg4[%add3A_53, %dma_wait3A_60] : memref<16384x128xf32, #tpu.memory_space<hbm>> -> memref<16x128xf32, #tpu.memory_space<hbm>>
        tpu.wait_dma2 semaphore(%run_scoped3A : memref<!tpu.dma_semaphore, #tpu.memory_space<semaphore_mem>>) src(%arg10 : memref<16x128xf32, #tpu.memory_space<vmem>>) dst(%dma_wait3A_61 : memref<16x128xf32, #tpu.memory_space<hbm>>)
        tpu.yield
      }) : () -> ()
    }
    %scan3A_13 = arith.constant 16 : i32
    return
  }
}

module attributes {stable_mosaic.version = 14 : i64} {
  func.func @_pack_body(%arg0: i32, %arg1: memref<64x16384xf32, #tpu.memory_space<vmem>>, %arg2: memref<4096x128xi32, #tpu.memory_space<vmem>>) attributes {dimension_semantics = [#tpu.dimension_semantics<arbitrary>], iteration_bounds = array<i64: 62>, scalar_prefetch = 0 : i64, scratch_operands = 0 : i64, tpu.core_type = #tpu.core_type<tc>, window_params = [{transform_indices = @transform_0, window_bounds = array<i64: 64, 16384>}, {transform_indices = @transform_1, window_bounds = array<i64: 4096, 128>}]} {
    %get3A = arith.constant 0 : index
    %get3A_0 = arith.constant 0 : index
    %get3A_1 = vector.load %arg1[%get3A, %get3A_0] : memref<64x16384xf32, #tpu.memory_space<vmem>>, vector<64x16384xf32>
    %convert_element_type3A = arith.truncf %get3A_1 : vector<64x16384xf32> to vector<64x16384xbf16>
    %bitcast3A = tpu.bitcast %convert_element_type3A : vector<64x16384xbf16> -> vector<32x16384xi32>
    %transpose3A = tpu.transpose %bitcast3A, [1, 0] : vector<32x16384xi32> -> vector<16384x32xi32>
    %slice3A = vector.extract_strided_slice %transpose3A {offsets = [0, 0], sizes = [4096, 32], strides = [1, 1]} : vector<16384x32xi32> to vector<4096x32xi32>
    %slice3A_2 = vector.extract_strided_slice %transpose3A {offsets = [4096, 0], sizes = [4096, 32], strides = [1, 1]} : vector<16384x32xi32> to vector<4096x32xi32>
    %slice3A_3 = vector.extract_strided_slice %transpose3A {offsets = [8192, 0], sizes = [4096, 32], strides = [1, 1]} : vector<16384x32xi32> to vector<4096x32xi32>
    %slice3A_4 = vector.extract_strided_slice %transpose3A {offsets = [12288, 0], sizes = [4096, 32], strides = [1, 1]} : vector<16384x32xi32> to vector<4096x32xi32>
    %concatenate3A = tpu.concatenate %slice3A, %slice3A_2, %slice3A_3, %slice3A_4 in 1 : vector<4096x32xi32>, vector<4096x32xi32>, vector<4096x32xi32>, vector<4096x32xi32> -> vector<4096x128xi32>
    %swap3A = arith.constant 0 : index
    %swap3A_5 = arith.constant 0 : index
    %swap3A_6 = vector.load %arg2[%swap3A, %swap3A_5] : memref<4096x128xi32, #tpu.memory_space<vmem>>, vector<4096x128xi32>
    tpu.vector_store %arg2[%swap3A, %swap3A_5], %concatenate3A {strides = array<i32>} : memref<4096x128xi32, #tpu.memory_space<vmem>>, vector<4096x128xi32>,
    return
  }
  func.func @transform_0(%arg0: i32) -> (i32, i32) {
    %c0_i32 = arith.constant 0 : i32
    %c0_i32_0 = arith.constant 0 : i32
    return %c0_i32, %arg0 : i32, i32
  }
  func.func @transform_1(%arg0: i32) -> (i32, i32) {
    %c0_i32 = arith.constant 0 : i32
    %c0_i32_0 = arith.constant 0 : i32
    return %arg0, %c0_i32 : i32, i32
  }
}

module attributes {stable_mosaic.version = 14 : i64} {
  func.func @_mlp_body(%arg0: i32, %arg1: memref<2048x128xf32, #tpu.memory_space<vmem>>, %arg2: memref<20x2048xi32, #tpu.memory_space<vmem>>, %arg3: memref<50x2048xi32, #tpu.memory_space<vmem>>, %arg4: memref<192x128xf32, #tpu.memory_space<vmem>>, %arg5: memref<128xf32, #tpu.memory_space<vmem>>, %arg6: memref<1x128xf32, #tpu.memory_space<vmem>>, %arg7: memref<1xf32, #tpu.memory_space<vmem>>, %arg8: memref<2048xf32, #tpu.memory_space<vmem>>) attributes {dimension_semantics = [#tpu.dimension_semantics<arbitrary>], iteration_bounds = array<i64: 8>, scalar_prefetch = 0 : i64, scratch_operands = 0 : i64, tpu.core_type = #tpu.core_type<tc>, window_params = [{transform_indices = @transform_0, window_bounds = array<i64: 2048, 128>}, {transform_indices = @transform_1, window_bounds = array<i64: 20, 2048>}, {transform_indices = @transform_2, window_bounds = array<i64: 50, 2048>}, {pipeline_mode = #tpu.pipeline_mode<synchronous>, transform_indices = @transform_3, window_bounds = array<i64: 192, 128>}, {pipeline_mode = #tpu.pipeline_mode<synchronous>, transform_indices = @transform_4, window_bounds = array<i64: 128>}, {pipeline_mode = #tpu.pipeline_mode<synchronous>, transform_indices = @transform_5, window_bounds = array<i64: 1, 128>}, {pipeline_mode = #tpu.pipeline_mode<synchronous>, transform_indices = @transform_6, window_bounds = array<i64: 1>}, {transform_indices = @transform_7, window_bounds = array<i64: 2048>}]} {
    %get3A = arith.constant 0 : index
    %get3A_0 = arith.constant 0 : index
    %get3A_1 = vector.load %arg2[%get3A, %get3A_0] : memref<20x2048xi32, #tpu.memory_space<vmem>>, vector<20x2048xi32>
    %ne3A = arith.constant 0 : i32
    %ne3A_2 = vector.broadcast %ne3A : i32 to vector<20x2048xi32>
    %ne3A_3 = arith.cmpi ne, %get3A_1, %ne3A_2 : vector<20x2048xi32>
    %convert_element_type3A = arith.extui %ne3A_3 : vector<20x2048xi1> to vector<20x2048xi32>
    %convert_element_type3A_4 = arith.sitofp %convert_element_type3A : vector<20x2048xi32> to vector<20x2048xf32>
    %reduce_sum3A = arith.constant dense<0.000000e+00> : vector<2048xf32>
    %reduce_sum3A_5 = vector.multi_reduction <add>, %convert_element_type3A_4, %reduce_sum3A [0] : vector<20x2048xf32> to vector<2048xf32>
    %broadcast_in_dim3A = vector.shape_cast %reduce_sum3A_5 : vector<2048xf32> to vector<1x2048xf32>
    %max3A = arith.constant 1.000000e+00 : f32
    %max3A_6 = vector.broadcast %max3A : f32 to vector<1x2048xf32>
    %max3A_7 = arith.maximumf %broadcast_in_dim3A, %max3A_6 : vector<1x2048xf32>
    %get3A_8 = arith.constant 0 : index
    %get3A_9 = arith.constant 0 : index
    %get3A_10 = vector.load %arg3[%get3A_8, %get3A_9] : memref<50x2048xi32, #tpu.memory_space<vmem>>, vector<50x2048xi32>
    %ne3A_11 = arith.constant 0 : i32
    %ne3A_12 = vector.broadcast %ne3A_11 : i32 to vector<50x2048xi32>
    %ne3A_13 = arith.cmpi ne, %get3A_10, %ne3A_12 : vector<50x2048xi32>
    %convert_element_type3A_14 = arith.extui %ne3A_13 : vector<50x2048xi1> to vector<50x2048xi32>
    %convert_element_type3A_15 = arith.sitofp %convert_element_type3A_14 : vector<50x2048xi32> to vector<50x2048xf32>
    %reduce_sum3A_16 = arith.constant dense<0.000000e+00> : vector<2048xf32>
    %reduce_sum3A_17 = vector.multi_reduction <add>, %convert_element_type3A_15, %reduce_sum3A_16 [0] : vector<50x2048xf32> to vector<2048xf32>
    %broadcast_in_dim3A_18 = vector.shape_cast %reduce_sum3A_17 : vector<2048xf32> to vector<1x2048xf32>
    %max3A_19 = arith.constant 1.000000e+00 : f32
    %max3A_20 = vector.broadcast %max3A_19 : f32 to vector<1x2048xf32>
    %max3A_21 = arith.maximumf %broadcast_in_dim3A_18, %max3A_20 : vector<1x2048xf32>
    %get3A_22 = arith.constant 0 : index
    %get3A_23 = arith.constant 0 : index
    %get3A_24 = vector.load %arg1[%get3A_22, %get3A_23] : memref<2048x128xf32, #tpu.memory_space<vmem>>, vector<2048x128xf32>
    %slice3A = vector.extract_strided_slice %get3A_24 {offsets = [0, 0], sizes = [2048, 64], strides = [1, 1]} : vector<2048x128xf32> to vector<2048x64xf32>
    %transpose3A = tpu.transpose %max3A_7, [1, 0] : vector<1x2048xf32> -> vector<2048x1xf32>
    %div3A = vector.broadcast %transpose3A : vector<2048x1xf32> to vector<2048x64xf32>
    %div3A_25 = arith.divf %slice3A, %div3A : vector<2048x64xf32>
    %slice3A_26 = vector.extract_strided_slice %get3A_24 {offsets = [0, 64], sizes = [2048, 64], strides = [1, 1]} : vector<2048x128xf32> to vector<2048x64xf32>
    %transpose3A_27 = tpu.transpose %max3A_21, [1, 0] : vector<1x2048xf32> -> vector<2048x1xf32>
    %div3A_28 = vector.broadcast %transpose3A_27 : vector<2048x1xf32> to vector<2048x64xf32>
    %div3A_29 = arith.divf %slice3A_26, %div3A_28 : vector<2048x64xf32>
    %sub3A = arith.subf %div3A_25, %div3A_29 : vector<2048x64xf32>
    %abs3A = math.absf %sub3A : vector<2048x64xf32>
    %get3A_30 = arith.constant 0 : index
    %get3A_31 = arith.constant 0 : index
    %get3A_32 = vector.load %arg4[%get3A_30, %get3A_31] : memref<192x128xf32, #tpu.memory_space<vmem>>, vector<192x128xf32>
    %slice3A_33 = vector.extract_strided_slice %get3A_32 {offsets = [0, 0], sizes = [64, 128], strides = [1, 1]} : vector<192x128xf32> to vector<64x128xf32>
    %dot_general3A = arith.constant dense<0.000000e+00> : vector<2048x128xf32>
    %dot_general3A_34 = tpu.matmul %div3A_25, %slice3A_33, %dot_general3A {dimension_numbers = #tpu.dot_dimension_numbers<[1], [0], [0], [1], [0, 0, 1, 1], [], []>, transpose_lhs_hint = false} : vector<2048x64xf32>, vector<64x128xf32>, vector<2048x128xf32> -> vector<2048x128xf32>
    %slice3A_35 = vector.extract_strided_slice %get3A_32 {offsets = [64, 0], sizes = [64, 128], strides = [1, 1]} : vector<192x128xf32> to vector<64x128xf32>
    %dot_general3A_36 = arith.constant dense<0.000000e+00> : vector<2048x128xf32>
    %dot_general3A_37 = tpu.matmul %div3A_29, %slice3A_35, %dot_general3A_36 {dimension_numbers = #tpu.dot_dimension_numbers<[1], [0], [0], [1], [0, 0, 1, 1], [], []>, transpose_lhs_hint = false} : vector<2048x64xf32>, vector<64x128xf32>, vector<2048x128xf32> -> vector<2048x128xf32>
    %add3A = arith.addf %dot_general3A_34, %dot_general3A_37 : vector<2048x128xf32>
    %slice3A_38 = vector.extract_strided_slice %get3A_32 {offsets = [128, 0], sizes = [64, 128], strides = [1, 1]} : vector<192x128xf32> to vector<64x128xf32>
    %dot_general3A_39 = arith.constant dense<0.000000e+00> : vector<2048x128xf32>
    %dot_general3A_40 = tpu.matmul %abs3A, %slice3A_38, %dot_general3A_39 {dimension_numbers = #tpu.dot_dimension_numbers<[1], [0], [0], [1], [0, 0, 1, 1], [], []>, transpose_lhs_hint = false} : vector<2048x64xf32>, vector<64x128xf32>, vector<2048x128xf32> -> vector<2048x128xf32>
    %add3A_41 = arith.addf %add3A, %dot_general3A_40 : vector<2048x128xf32>
    %get3A_42 = arith.constant 0 : index
    %get3A_43 = vector.load %arg5[%get3A_42] : memref<128xf32, #tpu.memory_space<vmem>>, vector<128xf32>
    %broadcast_in_dim3A_44 = vector.shape_cast %get3A_43 : vector<128xf32> to vector<1x128xf32>
    %add3A_45 = vector.broadcast %broadcast_in_dim3A_44 : vector<1x128xf32> to vector<2048x128xf32>
    %add3A_46 = arith.addf %add3A_41, %add3A_45 : vector<2048x128xf32>
    %max3A_47 = arith.constant 0.000000e+00 : f32
    %max3A_48 = vector.broadcast %max3A_47 : f32 to vector<2048x128xf32>
    %max3A_49 = arith.maximumf %add3A_46, %max3A_48 : vector<2048x128xf32>
    %get3A_50 = arith.constant 0 : index
    %get3A_51 = arith.constant 0 : index
    %get3A_52 = vector.load %arg6[%get3A_50, %get3A_51] : memref<1x128xf32, #tpu.memory_space<vmem>>, vector<1x128xf32>
    %mul3A = vector.broadcast %get3A_52 : vector<1x128xf32> to vector<2048x128xf32>
    %mul3A_53 = arith.mulf %max3A_49, %mul3A : vector<2048x128xf32>
    %reduce_sum3A_54 = arith.constant dense<0.000000e+00> : vector<2048xf32>
    %reduce_sum3A_55 = vector.multi_reduction <add>, %mul3A_53, %reduce_sum3A_54 [1] : vector<2048x128xf32> to vector<2048xf32>
    %get3A_56 = arith.constant 0 : index
    %get3A_57 = vector.load %arg7[%get3A_56] : memref<1xf32, #tpu.memory_space<vmem>>, vector<1xf32>
    %get3A_58 = vector.extract %get3A_57[0] : f32 from vector<1xf32>
    %add3A_59 = vector.broadcast %get3A_58 : f32 to vector<2048xf32>
    %add3A_60 = arith.addf %reduce_sum3A_55, %add3A_59 : vector<2048xf32>
    %swap3A = arith.constant 0 : index
    %swap3A_61 = vector.load %arg8[%swap3A] : memref<2048xf32, #tpu.memory_space<vmem>>, vector<2048xf32>
    tpu.vector_store %arg8[%swap3A], %add3A_60 {strides = array<i32>} : memref<2048xf32, #tpu.memory_space<vmem>>, vector<2048xf32>,
    return
  }
  func.func @transform_0(%arg0: i32) -> (i32, i32) {
    %c0_i32 = arith.constant 0 : i32
    %c0_i32_0 = arith.constant 0 : i32
    return %arg0, %c0_i32 : i32, i32
  }
  func.func @transform_1(%arg0: i32) -> (i32, i32) {
    %c0_i32 = arith.constant 0 : i32
    %c0_i32_0 = arith.constant 0 : i32
    return %c0_i32, %arg0 : i32, i32
  }
  func.func @transform_2(%arg0: i32) -> (i32, i32) {
    %c0_i32 = arith.constant 0 : i32
    %c0_i32_0 = arith.constant 0 : i32
    return %c0_i32, %arg0 : i32, i32
  }
  func.func @transform_3(%arg0: i32) -> (i32, i32) {
    %c0_i32 = arith.constant 0 : i32
    %c0_i32_0 = arith.constant 0 : i32
    %c0_i32_1 = arith.constant 0 : i32
    return %c0_i32, %c0_i32_0 : i32, i32
  }
  func.func @transform_4(%arg0: i32) -> i32 {
    %c0_i32 = arith.constant 0 : i32
    %c0_i32_0 = arith.constant 0 : i32
    return %c0_i32 : i32
  }
  func.func @transform_5(%arg0: i32) -> (i32, i32) {
    %c0_i32 = arith.constant 0 : i32
    %c0_i32_0 = arith.constant 0 : i32
    %c0_i32_1 = arith.constant 0 : i32
    return %c0_i32, %c0_i32_0 : i32, i32
  }
  func.func @transform_6(%arg0: i32) -> i32 {
    %c0_i32 = arith.constant 0 : i32
    %c0_i32_0 = arith.constant 0 : i32
    return %c0_i32 : i32
  }
  func.func @transform_7(%arg0: i32) -> i32 {
    %c0_i32 = arith.constant 0 : i32
    return %arg0 : i32
  }
}

</mosaic_0001>

<sc_bundles>
// kernel: kernel.5.cloned.1.call-start
scs
__scs_entry_jumppad:
0x0: {  	(pc) =	sbr.rel $0x88, $3  }
0x1: {  	(tag) =	ssettag $0x0;
	lr =	simm.s32 $0x1  }
0x2: {  	[smem:$0x3F9A] =	sst lr;
	_ =	strace $0xD0000000  }
0x3: {  	_ = 	snop  }
0x4: {  	_ = 	snop  }
0x5: {  	_ = 	snop  }
0x6: {  	_ = 	snop  }
0x7: {  	_ = 	snop  }
__scs_overlays_trampoline_lowered:
0x8: {  	[smem:$0x3FA9] =	sst s0  }
0x9: {  	[smem:$0x3FAA] =	sst s1  }
0xa: {  	[smem:$0x3FAB] =	sst s2  }
0xb: {  	[smem:$0x3FAC] =	sst s3  }
0xc: {  	[smem:$0x3FAD] =	sst s4  }
0xd: {  	[smem:$0x3FAE] =	sst s5  }
0xe: {  	[smem:$0x3FAF] =	sst s6  }
0xf: {  	[smem:$0x3FB0] =	sst s7  }
0x10: {  	[smem:$0x3FB1] =	sst s8  }
0x11: {  	[smem:$0x3FB2] =	sst s9;
	s0 =	simm.s32 @!p0 $0x0  }
0x12: {  	s1 =	sld [smem:$0x3F98];
	s0 =	simm.s32 @p0 $0x1  }
0x13: {  	[smem:$0x3FB3] =	sst s0;
	s0 =	simm.s32 @!p1 $0x0  }
0x14: {  	s2 =	sld [smem:$0x3F97];
	s0 =	simm.s32 @p1 $0x1  }
0x15: {  	[smem:$0x3FB4] =	sst s0;
	s0 =	simm.s32 @!p2 $0x0  }
0x16: {  	s3 =	sld [smem:$0x3FDB];
	s0 =	simm.s32 @p2 $0x1  }
0x17: {  	s4 =	simm.s32 $0x1BF5;
	[smem:$0x3FB6] =	sst s0  }
0x18: {  	s0 =	sld [smem:$0x3F99];
	_ =	swait.ge [sflag:s4], $0x0  }
0x19: {  	s7 =	sld [smem:$0x3F9A]  }
0x1a: {  	s8 =	sadd.s32 $0xFFFFE003, lr  }
0x1b: {  	s9 =	sadd.s32 $0xFFFFFEF7, lr;
	s5 =	simm.s32 $0xFFFFFFFF;
	p2 =	slt.u32 s8, $0xFFFFF086  }
0x1c: {  	p1 =	slt.u32 s9, $0xF7A;
	s5 =	simm.s32 @!p2 $0x0  }
0x1d: {  	s5 =	simm.s32 @p1 $0x1;
	p0 =	seq.s32 s7, s2  }
0x1e: {  	s7 =	smul.u32 @!p0 $0xF7A, s2;
	p2 =	seq.s32 @!p0 s5, $0x0  }
0x1f: {  	s9 =	smul.u32 $0xF7A, s1;
	s8 =	simm.s32 @!p0 $0x1BF5;
	p2 =	por !p2, p0  }
0x20: {  	[sflag:s8] =	ssyncset.s32 @!p0 $0xFFFFF086;
	s6 =	sadd.s32 @!p0 s3, s7;
	s7 =	simm.s32 @!p0 $0x108  }
0x21: {  	s3 =	sadd.s32 s3, s9;
	s6 =	sadd.s32 @!p0 $0x88, s6;
	s7 =	simm.s32 @p2 $0x1082  }
0x22: {  	[simem:s7], [sflag:s8] =	dma.local @!p0 [hbm:s6], $0xF7A  }
0x23: {  	s9 =	sor.u32 $0xD0000000, s2;
	s6 =	simm.s32 $0x108;
	_ =	swait.ge @!p0 [sflag:s8], $0x0  }
0x24: {  	s3 =	sadd.s32 $0x88, s3;
	s6 =	simm.s32 @!p1 $0x1082;
	[sflag:s4] =	ssyncset.s32 $0xFFFFF086  }
0x25: {  	[simem:s6], [sflag:s4] =	dma.local [hbm:s3], $0xF7A  }
0x26: {  	[smem:$0x3F9A] =	sst s1;
	(tag) =	ssettag s2;
	_ =	strace s9  }
0x27: {  	s1 =	sld [smem:$0x3FAA]  }
0x28: {  	s2 =	sld [smem:$0x3FAB]  }
0x29: {  	s4 =	sld [smem:$0x3FAD]  }
0x2a: {  	p0 =	seq.s32 s5, $0x0;
	s5 =	sld [smem:$0x3FAE]  }
0x2b: {  	s6 =	sld [smem:$0x3FAF]  }
0x2c: {  	s7 =	sld [smem:$0x3FB0]  }
0x2d: {  	s3 =	simm.s32 $0x108;
	s8 =	sld [smem:$0x3FB1]  }
0x2e: {  	s3 =	simm.s32 @!p0 $0x1082;
	s9 =	sld [smem:$0x3FB2]  }
0x2f: {  	lr =	sadd.s32 s0, s3;
	s0 =	sld [smem:$0x3FA9]  }
0x30: {  	s3 =	sld [smem:$0x3FAC]  }
0x31: {  	[smem:$0x3FB5] =	sst s10  }
0x32: {  	s10 =	sld [smem:$0x3FB3];
	_ =	sdelay $0x3  }
0x33: {  	p0 =	seq.s32 s10, $0x1;
	s10 =	sld [smem:$0x3FB5];
	_ =	sdelay $0x3  }
0x34: {  	[smem:$0x3FB5] =	sst s10  }
0x35: {  	s10 =	sld [smem:$0x3FB4];
	_ =	sdelay $0x3  }
0x36: {  	p1 =	seq.s32 s10, $0x1;
	s10 =	sld [smem:$0x3FB5];
	_ =	sdelay $0x3  }
0x37: {  	[smem:$0x3FB5] =	sst s10  }
0x38: {  	s10 =	sld [smem:$0x3FB6]  }
0x39: {  	_ = 	snop;
	(pc) =	sbr.ind lr, $3  }
0x3a: {  	_ = 	snop  }
0x3b: {  	_ = 	snop  }
0x3c: {  	p2 =	seq.s32 s10, $0x1;
	s10 =	sld [smem:$0x3FB5]  }
0x3d: {  	_ =	shalt  }
0x3e: {  	_ =	shalt  }
0x3f: {  	_ =	shalt  }
0x40: {  	_ =	shalt  }
0x41: {  	_ =	shalt  }
0x42: {  	_ =	shalt  }
0x43: {  	_ =	shalt  }
0x44: {  	_ =	shalt  }
0x45: {  	_ =	shalt  }
0x46: {  	_ =	shalt  }
0x47: {  	_ =	shalt  }
0x48: {  	_ =	shalt  }
0x49: {  	_ =	shalt  }
0x4a: {  	_ =	shalt  }
0x4b: {  	_ =	shalt  }
0x4c: {  	_ =	shalt  }
0x4d: {  	_ =	shalt  }
0x4e: {  	_ =	shalt  }
0x4f: {  	_ =	shalt  }
0x50: {  	_ =	shalt  }
0x51: {  	_ =	shalt  }
0x52: {  	_ =	shalt  }
0x53: {  	_ =	shalt  }
0x54: {  	_ =	shalt  }
0x55: {  	_ =	shalt  }
0x56: {  	_ =	shalt  }
0x57: {  	_ =	shalt  }
0x58: {  	_ =	shalt  }
0x59: {  	_ =	shalt  }
0x5a: {  	_ =	shalt  }
0x5b: {  	_ =	shalt  }
0x5c: {  	_ =	shalt  }
0x5d: {  	_ =	shalt  }
0x5e: {  	_ =	shalt  }
0x5f: {  	_ =	shalt  }
0x60: {  	_ =	shalt  }
0x61: {  	_ =	shalt  }
0x62: {  	_ =	shalt  }
0x63: {  	_ =	shalt  }
0x64: {  	_ =	shalt  }
0x65: {  	_ =	shalt  }
0x66: {  	_ =	shalt  }
0x67: {  	_ =	shalt  }
0x68: {  	_ =	shalt  }
0x69: {  	_ =	shalt  }
0x6a: {  	_ =	shalt  }
0x6b: {  	_ =	shalt  }
0x6c: {  	_ =	shalt  }
0x6d: {  	_ =	shalt  }
0x6e: {  	_ =	shalt  }
0x6f: {  	_ =	shalt  }
0x70: {  	_ =	shalt  }
0x71: {  	_ =	shalt  }
0x72: {  	_ =	shalt  }
0x73: {  	_ =	shalt  }
0x74: {  	_ =	shalt  }
0x75: {  	_ =	shalt  }
0x76: {  	_ =	shalt  }
0x77: {  	_ =	shalt  }
0x78: {  	_ =	shalt  }
0x79: {  	_ =	shalt  }
0x7a: {  	_ =	shalt  }
0x7b: {  	_ =	shalt  }
0x7c: {  	_ =	shalt  }
0x7d: {  	_ =	shalt  }
0x7e: {  	_ =	shalt  }
0x7f: {  	_ =	shalt  }
0x80: {  	_ =	shalt  }
0x81: {  	_ =	shalt  }
0x82: {  	_ =	shalt  }
0x83: {  	_ =	shalt  }
0x84: {  	_ =	shalt  }
0x85: {  	_ =	shalt  }
0x86: {  	_ =	shalt  }
0x87: {  	_ =	shalt  }
.Lfunc_end0:
.L_simem_size_0:
called_computation_lowered:
.L_overlay_start_0:
0x88: {  	s2 =	sld [smem:$0x3FD9]  }
0x89: {  	s3 =	sld [smem:$0x3FFE];
	_ =	sdelay $0x1  }
0x8a: {  	s1 =	srdreg.scid  }
0x8b: {  	s0 =	sand.u32 $0x1, s1  }
0x8c: {  	s16 =	sshll.u32 s0, $0xA;
	s2 =	sadd.s32 s3, s2  }
0x8d: {  	s2 =	sadd.s32 s2, s16  }
0x8e: {  	[smem:$0x3FC1] =	sst s2  }
0x8f: {  	_ = 	snop  }
0x90: {  	(tm) =	ssettm $0x1  }
0x91: {  	s17 =	sld [smem:$0x3FFB];
	_ =	sdelay $0x3  }
0x92: {  	_ =	strace s17  }
0x93: {  	s2 =	sld [smem:$0x3FFC];
	_ =	sdelay $0x3  }
0x94: {  	_ =	strace s2  }
0x95: {  	s2 =	sld [smem:$0x3FFD];
	_ =	sdelay $0x3  }
0x96: {  	_ =	strace s2  }
0x97: {  	_ =	strace $0x8FFFFFFF  }
0x98: {  	s18 =	sld [smem:$0x3FDB];
	_ =	sdelay $0x1  }
0x99: {  	s19 =	simm.s32 $_scs_section_size  }
0x9a: {  	s4 =	simm.s32 $_size__tile_overlayer_lowered;
	s5 =	simm.s32 $_tile_overlayer_lowered  }
0x9b: {  	s22 =	simm.s32 $0x1BFF;
	s21 =	sshll.u32 s5, $0x1;
	s2 =	sadd.s32 s19, s18  }
0x9c: {  	s6 =	simm.s32 $0x0;
	s20 =	sshll.u32 s4, $0x1;
	s4 =	sadd.s32 s21, s2  }
0x9d: {  	[timem:s6], [sflag:s22] =	dma.local [hbm:s4], s20  }
0x9e: {  	_ =	swait.ge [sflag:s22], s20  }
0x9f: {  	s3 =	ssub.s32 $0x0, s20;
	[sflag:s22] =	ssyncset.done $0x0  }
0xa0: {  	[sflag:s22] =	ssyncadd.s32 s3;
	_ =	sdelay $0x1  }
0xa1: {  	s23 =	simm.s32 $0x1B8B  }
0xa2: {  	_ =	swait.ge [sflag:s23], $0x1  }
0xa3: {  	[sflag:s23] =	ssyncset.done $0x0  }
0xa4: {  	s25 =	simm.s32 $0x1B8E;
	s24 =	sld [smem:$0x3FFE];
	[sflag:s23] =	ssyncadd.s32 $0xFFFFFFFF  }
0xa5: {  	s26 =	simm.s32 $execute0_lowered;
	[smem:$0x3FD2] =	sst s25  }
0xa6: {  	s4 =	sshll.u32 s26, $0x1;
	_ =	strace $0x80000046;
	[dreg:$0x1] =	wrdreg $0xFFFFFFFF  }
0xa7: {  	s28 =	simm.s32 $_size_execute0_lowered;
	s2 =	sadd.s32 s2, s4;
	[dreg:$0x0] =	wrdreg $0x0  }
0xa8: {  	s4 =	sshll.u32 s28, $0x1;
	[dreg:$0x2] =	wrdreg s2  }
0xa9: {  	[dreg:$0x3] =	wrdreg s4  }
0xaa: {  	[dreg:$0x4] =	wrdreg $0xC0  }
0xab: {  	_ =	task [dreg:s6], $0x5FFFF  }
0xac: {  	[dreg:$0x1] =	wrdreg $0xFFFFFFFF  }
0xad: {  	[dreg:$0x0] =	wrdreg $0x60  }
0xae: {  	[dreg:$0x2] =	wrdreg s24  }
0xaf: {  	[dreg:$0x3] =	wrdreg $0x9  }
0xb0: {  	_ =	task.clear_ibuf [dreg:s6], $0x4FFFF;
	_ =	strace $0x90000046  }
0xb1: {  	s29 =	simm.s32 $0x9;
	_ =	strace $0x80000048  }
0xb2: {  	_ =	swait.ge [sflag:s29], $0x1  }
0xb3: {  	[sflag:s29] =	ssyncadd.s32 $0xFFFFFFFF  }
0xb4: {  	_ =	strace $0x90000048  }
0xb5: {  	_ =	sfence  }
0xb6: {  	s30 =	sld [smem:$0x0];
	_ =	sdelay $0x2  }
0xb7: {  	s31 =	sshll.u32 s1, $0xD;
	s1 =	sshrl.u32 s1, $0x2  }
0xb8: {  	s3 =	sand.u32 $0x4000, s31;
	s1 =	sadd.s32 s1, s30  }
0xb9: {  	s0 =	sor.u32 s3, s0;
	s1 =	sshll.u32 s1, $0x11  }
0xba: {  	s0 =	sor.u32 s1, s0  }
0xbb: {  	s0 =	sadd.s32 $0x8F2B, s0  }
0xbc: {  	[sflag:s0] =	ssyncadd.remote.s32 $0x1  }
0xbd: {  	_ =	sfence.sel $0xFFFF  }
0xbe: {  	[dreg:$0x0] =	wrdreg $0xFFFFFFFF;
	(pc) =	sbr.abs _section_cstart, $3  }
0xbf: {  	[dreg:$0x1] =	wrdreg $0xFFFFFFFF  }
0xc0: {  	_ =	task.clear_ibuf [dreg:s6], $0x2FFFF;
	_ =	strace $0x9FFFFFFF  }
0xc1: {  	(tm) =	ssettm $0x7FFFFFFF  }
tec
execute0_lowered:
.L_overlay_start_1:
0x0: {  	(tag) =	ssettag $0x1  }
0x1: {  	s6 =	rddreg [dreg:$0x0]  }
0x2: {  	s0 =	rddreg [dreg:$0x1]  }
0x3: {  	s3 =	srdreg.scid;
	s1 =	stileid.u32;
	s2 =	simm.s32 $0x0  }
0x4: {  	s11 =	simm.s32 $0x460;
	s12 =	simm.s32 $0x8C0;
	s13 =	simm.s32 $0x94C0  }
0x5: {  	s14 =	simm.s32 $0x1;
	s15 =	simm.s32 $0x120C0;
	s16 =	simm.s32 $0x2  }
0x6: {  	s17 =	simm.s32 $0x128C0;
	s18 =	simm.s32 $0x0;
	s7 =	sand.u32 $0x1, s3  }
0x7: {  	s31 =	sshll.u32 s1, $0x1;
	[smem:$0x7FF] =	sst s2;
	s4 =	sadd.s32 $0x1200, s6  }
0x8: {  	s5 =	sadd.s32 $0x24200, s6;
	s8 =	sor.u32 s7, s31;
	s7 =	ssub.s32 $0x2, s7  }
0x9: {  	s3 =	smul.u32 $0x8C00, s8;
	s8 =	sshll.u32 s8, $0xD;
	s9 =	sshrl.u32 s7, $0x1  }
0xa: {  	_ =	strace $0x80000047;
	s8 =	sadd.s32 s8, s6;
	s9 =	ssub.s32 s7, s9  }
0xb: {  	s10 =	sshrl.u32 s3, $0x3;
	s7 =	sadd.s32 $0x404200, s8;
	s8 =	sadd.s32 $0x8C0, s3  }
0xc: {  	s9 =	smax.u32 s9, $0x1;
	s6 =	sadd.s32 s4, s10;
	s10 =	simm.s32 $0x3  }
.LBB2_1:
0xd: {  	[tilespmem:s2], [sflag:$0x3] =	stream.linear.gather [hbm4b:s6+s2], $0x460, $0x38;
	[tilespmem:$0x130C0] =	vst v63  }
0xe: {  	_ =	swait.ge [sflag:s10], $0x460  }
0xf: {  	[sflag:s10] =	ssyncset.done $0x0  }
0x10: {  	s19 =	simm.s32 $0x0;
	[sflag:s10] =	ssyncadd.s32 $0xFFFFFBA0  }
0x11: {  	[tilespmem:s12], [sflag:$0x1] =	stream.indirect.gather [hbm4b:s5+s11], $0x20, s2, s11, $0xb8;
	[tilespmem:$0x130C0] =	vst v63  }
.LBB2_2:
0x12: {  	s20 =	sshllo.u32 s19, $0x1  }
0x13: {  	s21 =	smul.u32 $0x460, s20;
	_ =	sdelay $0x1  }
0x14: {  	s21 =	sadd.s32 s3, s21  }
0x15: {  	s21 =	sshrl.u32 s21, $0x3  }
0x16: {  	s22 =	sadd.s32 s4, s21;
	s21 =	simm.s32 $0x0  }
0x17: {  	[tilespmem:s11], [sflag:$0x3] =	stream.linear.gather [hbm4b:s22+s21], $0x460, $0x38;
	[tilespmem:$0x130C0] =	vst v63  }
0x18: {  	_ =	swait.ge [sflag:s10], $0x460  }
0x19: {  	[sflag:s10] =	ssyncset.done $0x0  }
0x1a: {  	[sflag:s10] =	ssyncadd.s32 $0xFFFFFBA0  }
0x1b: {  	[tilespmem:s13], [sflag:$0x2] =	stream.indirect.gather [hbm4b:s5+s11], $0x20, s11, s11, $0xb8;
	[tilespmem:$0x130C0] =	vst v63  }
0x1c: {  	_ =	swait.ge [sflag:s14], $0x8C00  }
0x1d: {  	[sflag:s14] =	ssyncset.done $0x0  }
0x1e: {  	s23 =	simm.s32 $0xBD0;
	s22 =	simm.s32 $0x910;
	[sflag:s14] =	ssyncadd.s32 $0xFFFF7400  }
.LBB2_3:
0x1f: {  	v2 =	vmov s22;
	_ =	sdelay $0x3  }
0x20: {  	s25 =	simm.s32 $0x0  }
0x21: {  	v3 =	vld.idx.msk [tilespmem:v2+s25+$0x30 ss:$0x1], $0xffff  }
0x22: {  	v4 =	vld.idx.msk [tilespmem:v2+s25+$0x10 ss:$0x1], $0xffff  }
0x23: {  	v5 =	vld.idx.msk [tilespmem:v2+s25+$0xFFFFFFF0 ss:$0x1], $0xffff  }
0x24: {  	v6 =	vld.idx.msk [tilespmem:v2+s25+$0xFFFFFFD0 ss:$0x1], $0xffff  }
0x25: {  	v7 =	vld.idx.msk [tilespmem:v2+s25+$0xFFFFFFB0 ss:$0x1], $0xffff  }
0x26: {  	v8 =	vld.idx.msk [tilespmem:v2+s25+$0xFFFFFFC0 ss:$0x1], $0xffff;
	_ =	sdelay $0x1  }
0x27: {  	v0 =	vimm.f32 $0.0e+00;
	v9 =	vld.idx.msk [tilespmem:v2+s25+$0xFFFFFFE0 ss:$0x1], $0xffff;
	v1 =	vshll.u32 v3, $0x10;
	v3 =	vand.u32 $0xFFFF0000, v3  }
0x28: {  	v10 =	vshll.u32 v5, $0x10;
	v11 =	vshll.u32 v4, $0x10;
	v12 =	vand.u32 $0xFFFF0000, v4  }
0x29: {  	v13 =	vld.idx.msk [tilespmem:v2+s25+$0x0 ss:$0x1], $0xffff;
	v14 =	vshll.u32 v6, $0x10;
	v6 =	vand.u32 $0xFFFF0000, v6;
	v15 =	vand.u32 $0xFFFF0000, v5  }
0x2a: {  	v4 =	vshll.u32 v7, $0x10;
	v5 =	vand.u32 $0xFFFF0000, v7;
	v7 =	vshll.u32 v8, $0x10  }
0x2b: {  	v16 =	vld.idx.msk [tilespmem:v2+s25+$0x20 ss:$0x1], $0xffff;
	v17 =	vadd.f32 v4, v0;
	v5 =	vadd.f32 v5, v0;
	v4 =	vand.u32 $0xFFFF0000, v8  }
0x2c: {  	s24 =	simm.s32 $0xA0;
	v19 =	vshll.u32 v9, $0x10;
	v8 =	vadd.f32 v7, v0;
	v7 =	vld.idx.msk [tilespmem:v2+s25+$0x40 ss:$0x1], $0xffff;
	v18 =	vadd.f32 v4, v0  }
0x2d: {  	v4 =	vld.idx.msk [tilespmem:v2+s24+$0x30 ss:$0x1], $0xffff;
	v14 =	vadd.f32 v14, v17;
	v17 =	vadd.f32 v6, v5;
	v5 =	vand.u32 $0xFFFF0000, v9  }
0x2e: {  	v62 =	vshll.u32 v13, $0x10;
	v6 =	vld.idx.msk [tilespmem:v2+s24+$0x10 ss:$0x1], $0xffff;
	v9 =	vadd.f32 v19, v8;
	v18 =	vadd.f32 v5, v18  }
0x2f: {  	v8 =	vld.idx.msk [tilespmem:v2+s24+$0xFFFFFFD0 ss:$0x1], $0xffff;
	v14 =	vadd.f32 v10, v14;
	v15 =	vadd.f32 v15, v17;
	v10 =	vand.u32 $0xFFFF0000, v13  }
0x30: {  	v63 =	vshll.u32 v16, $0x10;
	v5 =	vld.idx.msk [tilespmem:v2+s24+$0xFFFFFFF0 ss:$0x1], $0xffff;
	v13 =	vadd.f32 v62, v9;
	v17 =	vadd.f32 v10, v18  }
0x31: {  	v9 =	vld.idx.msk [tilespmem:v2+s24+$0xFFFFFFC0 ss:$0x1], $0xffff;
	v11 =	vadd.f32 v11, v14;
	v12 =	vadd.f32 v12, v15;
	v14 =	vand.u32 $0xFFFF0000, v16  }
0x32: {  	s25 =	simm.s32 $0x500;
	v10 =	vld.idx.msk [tilespmem:v2+s24+$0xFFFFFFB0 ss:$0x1], $0xffff;
	v13 =	vadd.f32 v63, v13;
	v15 =	vshll.u32 v7, $0x10;
	v14 =	vadd.f32 v14, v17  }
.LBB2_4:
0x33: {  	p0 =	sne.s32 s25, $0x780;
	v11 =	vadd.f32 v1, v11;
	v12 =	vadd.f32 v3, v12;
	v1 =	vand.u32 $0xFFFF0000, v7  }
0x34: {  	v16 =	vld.idx.msk [tilespmem:v2+s24+$0xFFFFFFE0 ss:$0x1], $0xffff;
	v7 =	vadd.f32 v15, v13;
	v13 =	vadd.f32 v1, v14  }
0x35: {  	v3 =	vand.u32 $0xFFFF0000, v4;
	v1 =	vshll.u32 v4, $0x10  }
0x36: {  	v17 =	vshll.u32 v6, $0x10;
	v18 =	vand.u32 $0xFFFF0000, v6;
	v14 =	vshll.u32 v5, $0x10;
	v15 =	vld.idx.msk [tilespmem:v2+s24+$0x0 ss:$0x1], $0xffff  }
0x37: {  	v19 =	vand.u32 $0xFFFF0000, v5;
	v6 =	vshll.u32 v8, $0x10;
	v8 =	vand.u32 $0xFFFF0000, v8  }
0x38: {  	v4 =	vshll.u32 v10, $0x10;
	v5 =	vand.u32 $0xFFFF0000, v10;
	v10 =	vshll.u32 v9, $0x10;
	v20 =	vld.idx.msk [tilespmem:v2+s24+$0x20 ss:$0x1], $0xffff  }
0x39: {  	v11 =	vadd.f32 v4, v11;
	v5 =	vadd.f32 v5, v12;
	v4 =	vand.u32 $0xFFFF0000, v9  }
0x3a: {  	v9 =	vadd.f32 v10, v7;
	v10 =	vadd.f32 v4, v13;
	v12 =	vshll.u32 v16, $0x10;
	v7 =	vld.idx.msk [tilespmem:v2+s24+$0x40 ss:$0x1], $0xffff;
	s24 =	sshra.s32 s25, $0x2  }
0x3b: {  	v11 =	vadd.f32 v6, v11;
	v8 =	vadd.f32 v8, v5;
	v5 =	vand.u32 $0xFFFF0000, v16;
	v4 =	vld.idx.msk [tilespmem:v2+s24+$0x30 ss:$0x1], $0xffff  }
.Ltmp0:
0x3c: {  	v9 =	vadd.f32 v12, v9;
	v10 =	vadd.f32 v5, v10;
	v12 =	vshll.u32 v15, $0x10;
	v6 =	vld.idx.msk [tilespmem:v2+s24+$0x10 ss:$0x1], $0xffff;
	(pc) =	sbr.rel @p0 .LBB2_4-.Ltmp0, $4  }
0x3d: {  	v11 =	vadd.f32 v14, v11;
	v13 =	vadd.f32 v19, v8;
	v14 =	vand.u32 $0xFFFF0000, v15;
	v5 =	vld.idx.msk [tilespmem:v2+s24+$0xFFFFFFF0 ss:$0x1], $0xffff  }
0x3e: {  	v15 =	vadd.f32 v12, v9;
	v14 =	vadd.f32 v14, v10;
	v16 =	vshll.u32 v20, $0x10;
	v8 =	vld.idx.msk [tilespmem:v2+s24+$0xFFFFFFD0 ss:$0x1], $0xffff  }
0x3f: {  	v11 =	vadd.f32 v17, v11;
	v12 =	vadd.f32 v18, v13;
	v17 =	vand.u32 $0xFFFF0000, v20;
	v10 =	vld.idx.msk [tilespmem:v2+s24+$0xFFFFFFB0 ss:$0x1], $0xffff  }
0x40: {  	s25 =	sadd.s32 $0x280, s25;
	v13 =	vadd.f32 v16, v15;
	v14 =	vadd.f32 v17, v14;
	v15 =	vshll.u32 v7, $0x10;
	v9 =	vld.idx.msk [tilespmem:v2+s24+$0xFFFFFFC0 ss:$0x1], $0xffff  }
0x41: {  	_ =	sdelay $0x1  }
0x42: {  	v11 =	vadd.f32 v1, v11;
	v3 =	vadd.f32 v3, v12;
	v1 =	vand.u32 $0xFFFF0000, v7  }
0x43: {  	v16 =	vshll.u32 v6, $0x10;
	v6 =	vand.u32 $0xFFFF0000, v6;
	v7 =	vadd.f32 v15, v13  }
0x44: {  	v12 =	vadd.f32 v1, v14;
	v13 =	vshll.u32 v4, $0x10;
	v14 =	vld.idx.msk [tilespmem:v2+s24+$0xFFFFFFE0 ss:$0x1], $0xffff;
	v4 =	vand.u32 $0xFFFF0000, v4  }
0x45: {  	v15 =	vshll.u32 v5, $0x10;
	v1 =	vmov s23;
	v5 =	vand.u32 $0xFFFF0000, v5  }
0x46: {  	v18 =	vld.idx.msk [tilespmem:v2+s24+$0x0 ss:$0x1], $0xffff;
	v17 =	vshll.u32 v8, $0x10;
	v8 =	vand.u32 $0xFFFF0000, v8;
	v19 =	vshll.u32 v10, $0x10  }
0x47: {  	v10 =	vand.u32 $0xFFFF0000, v10;
	v20 =	vshll.u32 v9, $0x10;
	v11 =	vadd.f32 v19, v11  }
0x48: {  	v19 =	vld.idx.msk [tilespmem:v2+s24+$0x20 ss:$0x1], $0xffff;
	v3 =	vadd.f32 v10, v3;
	v9 =	vand.u32 $0xFFFF0000, v9;
	v7 =	vadd.f32 v20, v7  }
0x49: {  	s25 =	simm.s32 $0x0;
	v2 =	vld.idx.msk [tilespmem:v2+s24+$0x40 ss:$0x1], $0xffff;
	v9 =	vadd.f32 v9, v12;
	v10 =	vshll.u32 v14, $0x10;
	v11 =	vadd.f32 v17, v11  }
0x4a: {  	v3 =	vadd.f32 v8, v3;
	v8 =	vand.u32 $0xFFFF0000, v14;
	v12 =	vld.idx.msk [tilespmem:v1+s25+$0xFFFFFFD0 ss:$0x1], $0xffff;
	v7 =	vadd.f32 v10, v7  }
0x4b: {  	v14 =	vld.idx.msk [tilespmem:v1+s25+$0xFFFFFF90 ss:$0x1], $0xffff;
	v8 =	vadd.f32 v8, v9;
	v9 =	vshll.u32 v18, $0x10;
	v11 =	vadd.f32 v15, v11  }
0x4c: {  	v10 =	vld.idx.msk [tilespmem:v1+s25+$0xFFFFFFF0 ss:$0x1], $0xffff;
	v3 =	vadd.f32 v5, v3;
	v5 =	vand.u32 $0xFFFF0000, v18;
	v7 =	vadd.f32 v9, v7  }
0x4d: {  	v9 =	vld.idx.msk [tilespmem:v1+s25+$0xFFFFFFB0 ss:$0x1], $0xffff;
	v5 =	vadd.f32 v5, v8;
	v8 =	vshll.u32 v19, $0x10;
	v11 =	vadd.f32 v16, v11  }
0x4e: {  	v3 =	vadd.f32 v6, v3;
	v6 =	vand.u32 $0xFFFF0000, v19;
	v7 =	vadd.f32 v8, v7;
	v8 =	vld.idx.msk [tilespmem:v1+s25+$0xFFFFFF70 ss:$0x1], $0xffff  }
0x4f: {  	v15 =	vshll.u32 v2, $0x10;
	v6 =	vadd.f32 v6, v5;
	v5 =	vadd.f32 v13, v11;
	v11 =	vld.idx.msk [tilespmem:v1+s25+$0xFFFFFF80 ss:$0x1], $0xffff  }
0x50: {  	v2 =	vand.u32 $0xFFFF0000, v2;
	v16 =	vshll.u32 v12, $0x10;
	v12 =	vand.u32 $0xFFFF0000, v12  }
0x51: {  	v18 =	vshll.u32 v14, $0x10;
	v14 =	vand.u32 $0xFFFF0000, v14;
	v4 =	vadd.f32 v4, v3;
	v13 =	vld.idx.msk [tilespmem:v1+s25+$0xFFFFFFA0 ss:$0x1], $0xffff  }
0x52: {  	v3 =	vadd.f32 v15, v7;
	v2 =	vadd.f32 v2, v6;
	v6 =	vshll.u32 v10, $0x10  }
0x53: {  	v17 =	vld.idx.msk [tilespmem:v1+s25+$0xFFFFFFC0 ss:$0x1], $0xffff;
	v7 =	vand.u32 $0xFFFF0000, v10;
	v15 =	vshll.u32 v9, $0x10;
	v19 =	vand.u32 $0xFFFF0000, v9  }
0x54: {  	v9 =	vshll.u32 v8, $0x10;
	v8 =	vand.u32 $0xFFFF0000, v8;
	v10 =	vshll.u32 v11, $0x10  }
0x55: {  	v20 =	vld.idx.msk [tilespmem:v1+s25+$0xFFFFFFE0 ss:$0x1], $0xffff;
	v9 =	vadd.f32 v9, v0;
	v8 =	vadd.f32 v8, v0;
	v11 =	vand.u32 $0xFFFF0000, v11  }
0x56: {  	s24 =	simm.s32 $0xA0;
	v22 =	vshll.u32 v13, $0x10;
	v21 =	vadd.f32 v10, v0;
	v11 =	vadd.f32 v11, v0;
	v10 =	vld.idx.msk [tilespmem:v1+s25+$0x0 ss:$0x1], $0xffff  }
0x57: {  	v0 =	vld.idx.msk [tilespmem:v1+s24+$0xFFFFFFF0 ss:$0x1], $0xffff;
	v18 =	vadd.f32 v18, v9;
	v14 =	vadd.f32 v14, v8;
	v9 =	vand.u32 $0xFFFF0000, v13  }
0x58: {  	v62 =	vshll.u32 v17, $0x10;
	v8 =	vld.idx.msk [tilespmem:v1+s24+$0xFFFFFFD0 ss:$0x1], $0xffff;
	v13 =	vadd.f32 v22, v21;
	v61 =	vadd.f32 v9, v11  }
0x59: {  	v9 =	vld.idx.msk [tilespmem:v1+s24+$0xFFFFFFB0 ss:$0x1], $0xffff;
	v15 =	vadd.f32 v15, v18;
	v18 =	vadd.f32 v19, v14;
	v14 =	vand.u32 $0xFFFF0000, v17  }
0x5a: {  	v63 =	vshll.u32 v20, $0x10;
	v11 =	vld.idx.msk [tilespmem:v1+s24+$0xFFFFFF90 ss:$0x1], $0xffff;
	v17 =	vadd.f32 v62, v13;
	v19 =	vadd.f32 v14, v61  }
0x5b: {  	v13 =	vld.idx.msk [tilespmem:v1+s24+$0xFFFFFF70 ss:$0x1], $0xffff;
	v14 =	vadd.f32 v16, v15;
	v15 =	vadd.f32 v12, v18;
	v16 =	vand.u32 $0xFFFF0000, v20  }
0x5c: {  	s25 =	simm.s32 $0x500;
	v12 =	vld.idx.msk [tilespmem:v1+s24+$0xFFFFFF80 ss:$0x1], $0xffff;
	v18 =	vshll.u32 v10, $0x10;
	v17 =	vadd.f32 v63, v17;
	v16 =	vadd.f32 v16, v19  }
.LBB2_6:
0x5d: {  	p0 =	sne.s32 s25, $0x1680;
	v14 =	vadd.f32 v6, v14;
	v15 =	vadd.f32 v7, v15;
	v6 =	vand.u32 $0xFFFF0000, v10  }
0x5e: {  	v19 =	vld.idx.msk [tilespmem:v1+s24+$0xFFFFFFA0 ss:$0x1], $0xffff;
	v10 =	vadd.f32 v18, v17;
	v16 =	vadd.f32 v6, v16  }
0x5f: {  	v7 =	vand.u32 $0xFFFF0000, v0;
	v6 =	vshll.u32 v0, $0x10  }
0x60: {  	v20 =	vshll.u32 v8, $0x10;
	v21 =	vand.u32 $0xFFFF0000, v8;
	v17 =	vshll.u32 v9, $0x10;
	v18 =	vld.idx.msk [tilespmem:v1+s24+$0xFFFFFFC0 ss:$0x1], $0xffff  }
0x61: {  	v22 =	vand.u32 $0xFFFF0000, v9;
	v8 =	vshll.u32 v11, $0x10;
	v11 =	vand.u32 $0xFFFF0000, v11  }
0x62: {  	v0 =	vshll.u32 v13, $0x10;
	v9 =	vand.u32 $0xFFFF0000, v13;
	v13 =	vshll.u32 v12, $0x10;
	v23 =	vld.idx.msk [tilespmem:v1+s24+$0xFFFFFFE0 ss:$0x1], $0xffff  }
0x63: {  	v14 =	vadd.f32 v0, v14;
	v9 =	vadd.f32 v9, v15;
	v0 =	vand.u32 $0xFFFF0000, v12  }
0x64: {  	v12 =	vadd.f32 v13, v10;
	v13 =	vadd.f32 v0, v16;
	v15 =	vshll.u32 v19, $0x10;
	v10 =	vld.idx.msk [tilespmem:v1+s24+$0x0 ss:$0x1], $0xffff;
	s24 =	sshra.s32 s25, $0x2  }
0x65: {  	v14 =	vadd.f32 v8, v14;
	v11 =	vadd.f32 v11, v9;
	v9 =	vand.u32 $0xFFFF0000, v19;
	v0 =	vld.idx.msk [tilespmem:v1+s24+$0xFFFFFFF0 ss:$0x1], $0xffff  }
.Ltmp1:
0x66: {  	v12 =	vadd.f32 v15, v12;
	v13 =	vadd.f32 v9, v13;
	v15 =	vshll.u32 v18, $0x10;
	v8 =	vld.idx.msk [tilespmem:v1+s24+$0xFFFFFFD0 ss:$0x1], $0xffff;
	(pc) =	sbr.rel @p0 .LBB2_6-.Ltmp1, $4  }
0x67: {  	v14 =	vadd.f32 v17, v14;
	v16 =	vadd.f32 v22, v11;
	v17 =	vand.u32 $0xFFFF0000, v18;
	v9 =	vld.idx.msk [tilespmem:v1+s24+$0xFFFFFFB0 ss:$0x1], $0xffff  }
0x68: {  	v18 =	vadd.f32 v15, v12;
	v19 =	vadd.f32 v17, v13;
	v17 =	vshll.u32 v23, $0x10;
	v11 =	vld.idx.msk [tilespmem:v1+s24+$0xFFFFFF90 ss:$0x1], $0xffff  }
0x69: {  	v14 =	vadd.f32 v20, v14;
	v15 =	vadd.f32 v21, v16;
	v16 =	vand.u32 $0xFFFF0000, v23;
	v13 =	vld.idx.msk [tilespmem:v1+s24+$0xFFFFFF70 ss:$0x1], $0xffff  }
0x6a: {  	s25 =	sadd.s32 $0x280, s25;
	v17 =	vadd.f32 v17, v18;
	v16 =	vadd.f32 v16, v19;
	v18 =	vshll.u32 v10, $0x10;
	v12 =	vld.idx.msk [tilespmem:v1+s24+$0xFFFFFF80 ss:$0x1], $0xffff  }
0x6b: {  	_ =	sdelay $0x1  }
0x6c: {  	v6 =	vadd.f32 v6, v14;
	v7 =	vadd.f32 v7, v15;
	v10 =	vand.u32 $0xFFFF0000, v10  }
0x6d: {  	v37 =	vshll.u32 v0, $0x10;
	v19 =	vshll.u32 v8, $0x10;
	v52 =	vand.u32 $0xFFFF0000, v8  }
0x6e: {  	v36 =	vld.idx.msk [tilespmem:v1+s24+$0xFFFFFFA0 ss:$0x1], $0xffff;
	v56 =	vand.u32 $0xFFFF0000, v0;
	v35 =	vadd.f32 v18, v17;
	v10 =	vadd.f32 v10, v16  }
0x6f: {  	v39 =	vshll.u32 v9, $0x10;
	v43 =	vand.u32 $0xFFFF0000, v9;
	v38 =	vshll.u32 v13, $0x10  }
0x70: {  	v40 =	vld.idx.msk [tilespmem:v1+s24+$0xFFFFFFC0 ss:$0x1], $0xffff;
	v20 =	vshll.u32 v11, $0x10;
	v42 =	vand.u32 $0xFFFF0000, v13;
	v6 =	vadd.f32 v38, v6  }
0x71: {  	v41 =	vand.u32 $0xFFFF0000, v11;
	v21 =	vshll.u32 v12, $0x10;
	v7 =	vadd.f32 v42, v7  }
0x72: {  	v46 =	vld.idx.msk [tilespmem:v1+s24+$0xFFFFFFE0 ss:$0x1], $0xffff;
	v44 =	vand.u32 $0xFFFF0000, v12;
	v45 =	vadd.f32 v21, v35;
	v6 =	vadd.f32 v20, v6  }
0x73: {  	v47 =	vshll.u32 v36, $0x10;
	v10 =	vadd.f32 v44, v10;
	v7 =	vadd.f32 v41, v7  }
0x74: {  	v50 =	vld.idx.msk [tilespmem:v1+s24+$0x0 ss:$0x1], $0xffff;
	s31 =	sshll.u32 s21, $0x7;
	v48 =	vand.u32 $0xFFFF0000, v36;
	v49 =	vadd.f32 v47, v45;
	v6 =	vadd.f32 v39, v6  }
0x75: {  	s24 =	sand.u32 $0x3FFFFF80, s31;
	v51 =	vshll.u32 v40, $0x10;
	v53 =	vadd.f32 v48, v10;
	v7 =	vadd.f32 v43, v7  }
0x76: {  	[tilespmem:s24+$0x120C0] =	vst v5;
	v55 =	vand.u32 $0xFFFF0000, v40;
	v54 =	vadd.f32 v51, v49;
	v6 =	vadd.f32 v19, v6  }
0x77: {  	s21 =	sadd.s32 $0x1, s21;
	[tilespmem:s24+$0x120D0] =	vst v4;
	v58 =	vshll.u32 v46, $0x10;
	v57 =	vadd.f32 v55, v53;
	v7 =	vadd.f32 v52, v7  }
0x78: {  	p0 =	sne.s32 s21, $0x10;
	[tilespmem:s24+$0x120E0] =	vst v3;
	v60 =	vand.u32 $0xFFFF0000, v46;
	v59 =	vadd.f32 v58, v54;
	v6 =	vadd.f32 v37, v6  }
.Ltmp2:
0x79: {  	[tilespmem:s24+$0x120F0] =	vst v2;
	v61 =	vshll.u32 v50, $0x10;
	v62 =	vadd.f32 v60, v57;
	v0 =	vadd.f32 v56, v7;
	(pc) =	sbr.rel @p0 .LBB2_3-.Ltmp2, $4  }
0x7a: {  	v63 =	vand.u32 $0xFFFF0000, v50;
	v5 =	vadd.f32 v61, v59;
	[tilespmem:s24+$0x12100] =	vst v6  }
0x7b: {  	[tilespmem:s24+$0x12110] =	vst v0;
	v0 =	vadd.f32 v63, v62  }
0x7c: {  	[tilespmem:s24+$0x12120] =	vst v5  }
0x7d: {  	s22 =	sadd.s32 $0x8C0, s22;
	s23 =	sadd.s32 $0x8C0, s23;
	[tilespmem:s24+$0x12130] =	vst v0  }
0x7e: {  	s21 =	sshll.u32 s19, $0x9;
	p0 =	seq.s32 s19, $0xF  }
0x7f: {  	s21 =	sadd.s32 s21, s7;
	s22 =	smul.u32 @!p0 $0x8C0, s19  }
0x80: {  	[hbm4b:s21+s2] =	stream.linear.scatter [tilespmem:s15], [sflag:$0x3], $0x800, $0x38;
	[tilespmem:$0x130C0] =	vst v63  }
0x81: {  	_ =	swait.ge [sflag:s10], $0x800;
	s21 =	sadd.s32 @!p0 s22, s8  }
0x82: {  	[sflag:s10] =	ssyncset.done $0x0;
	s21 =	sshrl.u32 @!p0 s21, $0x3  }
0x83: {  	s22 =	simm.s32 @!p0 $0x0;
	[sflag:s10] =	ssyncadd.s32 $0xFFFFF800;
	s21 =	sadd.s32 @!p0 s4, s21  }
0x84: {  	[tilespmem:s22], [sflag:$0x3] =	stream.linear.gather @!p0 [hbm4b:s21+s22], $0x460, $0x38;
	[tilespmem:$0x130C0] =	vst v63  }
0x85: {  	s21 =	simm.s32 @!p0 $0x3  }
0x86: {  	_ =	swait.ge @!p0 [sflag:s21], $0x460  }
0x87: {  	[sflag:s21] =	ssyncset.done @!p0 $0x0  }
0x88: {  	s23 =	simm.s32 @!p0 $0x8C0;
	[sflag:s21] =	ssyncadd.s32 @!p0 $0xFFFFFBA0;
	s21 =	simm.s32 @!p0 $0x460  }
0x89: {  	[tilespmem:s23], [sflag:$0x1] =	stream.indirect.gather @!p0 [hbm4b:s5+s21], $0x20, s22, s21, $0xb8;
	[tilespmem:$0x130C0] =	vst v63  }
0x8a: {  	_ =	swait.ge [sflag:s16], $0x8C00  }
0x8b: {  	s21 =	simm.s32 $0x0;
	[sflag:s16] =	ssyncset.done $0x0  }
0x8c: {  	s22 =	simm.s32 $0x9510;
	s23 =	simm.s32 $0x97D0;
	[sflag:s16] =	ssyncadd.s32 $0xFFFF7400  }
.LBB2_9:
0x8d: {  	v2 =	vmov s22;
	_ =	sdelay $0x3  }
0x8e: {  	s25 =	simm.s32 $0x0  }
0x8f: {  	v3 =	vld.idx.msk [tilespmem:v2+s25+$0x30 ss:$0x1], $0xffff  }
0x90: {  	v4 =	vld.idx.msk [tilespmem:v2+s25+$0x10 ss:$0x1], $0xffff  }
0x91: {  	v5 =	vld.idx.msk [tilespmem:v2+s25+$0xFFFFFFF0 ss:$0x1], $0xffff  }
0x92: {  	v6 =	vld.idx.msk [tilespmem:v2+s25+$0xFFFFFFD0 ss:$0x1], $0xffff  }
0x93: {  	v7 =	vld.idx.msk [tilespmem:v2+s25+$0xFFFFFFB0 ss:$0x1], $0xffff  }
0x94: {  	v8 =	vld.idx.msk [tilespmem:v2+s25+$0xFFFFFFC0 ss:$0x1], $0xffff;
	_ =	sdelay $0x1  }
0x95: {  	v0 =	vimm.f32 $0.0e+00;
	v9 =	vld.idx.msk [tilespmem:v2+s25+$0xFFFFFFE0 ss:$0x1], $0xffff;
	v1 =	vshll.u32 v3, $0x10;
	v3 =	vand.u32 $0xFFFF0000, v3  }
0x96: {  	v10 =	vshll.u32 v5, $0x10;
	v11 =	vshll.u32 v4, $0x10;
	v12 =	vand.u32 $0xFFFF0000, v4  }
0x97: {  	v13 =	vld.idx.msk [tilespmem:v2+s25+$0x0 ss:$0x1], $0xffff;
	v14 =	vshll.u32 v6, $0x10;
	v6 =	vand.u32 $0xFFFF0000, v6;
	v15 =	vand.u32 $0xFFFF0000, v5  }
0x98: {  	v4 =	vshll.u32 v7, $0x10;
	v5 =	vand.u32 $0xFFFF0000, v7;
	v7 =	vshll.u32 v8, $0x10  }
0x99: {  	v16 =	vld.idx.msk [tilespmem:v2+s25+$0x20 ss:$0x1], $0xffff;
	v17 =	vadd.f32 v4, v0;
	v5 =	vadd.f32 v5, v0;
	v4 =	vand.u32 $0xFFFF0000, v8  }
0x9a: {  	s24 =	simm.s32 $0xA0;
	v19 =	vshll.u32 v9, $0x10;
	v8 =	vadd.f32 v7, v0;
	v7 =	vld.idx.msk [tilespmem:v2+s25+$0x40 ss:$0x1], $0xffff;
	v18 =	vadd.f32 v4, v0  }
0x9b: {  	v4 =	vld.idx.msk [tilespmem:v2+s24+$0x30 ss:$0x1], $0xffff;
	v14 =	vadd.f32 v14, v17;
	v17 =	vadd.f32 v6, v5;
	v5 =	vand.u32 $0xFFFF0000, v9  }
0x9c: {  	v62 =	vshll.u32 v13, $0x10;
	v6 =	vld.idx.msk [tilespmem:v2+s24+$0x10 ss:$0x1], $0xffff;
	v9 =	vadd.f32 v19, v8;
	v18 =	vadd.f32 v5, v18  }
0x9d: {  	v8 =	vld.idx.msk [tilespmem:v2+s24+$0xFFFFFFD0 ss:$0x1], $0xffff;
	v14 =	vadd.f32 v10, v14;
	v15 =	vadd.f32 v15, v17;
	v10 =	vand.u32 $0xFFFF0000, v13  }
0x9e: {  	v63 =	vshll.u32 v16, $0x10;
	v5 =	vld.idx.msk [tilespmem:v2+s24+$0xFFFFFFF0 ss:$0x1], $0xffff;
	v13 =	vadd.f32 v62, v9;
	v17 =	vadd.f32 v10, v18  }
0x9f: {  	v9 =	vld.idx.msk [tilespmem:v2+s24+$0xFFFFFFC0 ss:$0x1], $0xffff;
	v11 =	vadd.f32 v11, v14;
	v12 =	vadd.f32 v12, v15;
	v14 =	vand.u32 $0xFFFF0000, v16  }
0xa0: {  	s25 =	simm.s32 $0x500;
	v10 =	vld.idx.msk [tilespmem:v2+s24+$0xFFFFFFB0 ss:$0x1], $0xffff;
	v13 =	vadd.f32 v63, v13;
	v15 =	vshll.u32 v7, $0x10;
	v14 =	vadd.f32 v14, v17  }
.LBB2_10:
0xa1: {  	p0 =	sne.s32 s25, $0x780;
	v11 =	vadd.f32 v1, v11;
	v12 =	vadd.f32 v3, v12;
	v1 =	vand.u32 $0xFFFF0000, v7  }
0xa2: {  	v16 =	vld.idx.msk [tilespmem:v2+s24+$0xFFFFFFE0 ss:$0x1], $0xffff;
	v7 =	vadd.f32 v15, v13;
	v13 =	vadd.f32 v1, v14  }
0xa3: {  	v3 =	vand.u32 $0xFFFF0000, v4;
	v1 =	vshll.u32 v4, $0x10  }
0xa4: {  	v17 =	vshll.u32 v6, $0x10;
	v18 =	vand.u32 $0xFFFF0000, v6;
	v14 =	vshll.u32 v5, $0x10;
	v15 =	vld.idx.msk [tilespmem:v2+s24+$0x0 ss:$0x1], $0xffff  }
0xa5: {  	v19 =	vand.u32 $0xFFFF0000, v5;
	v6 =	vshll.u32 v8, $0x10;
	v8 =	vand.u32 $0xFFFF0000, v8  }
0xa6: {  	v4 =	vshll.u32 v10, $0x10;
	v5 =	vand.u32 $0xFFFF0000, v10;
	v10 =	vshll.u32 v9, $0x10;
	v20 =	vld.idx.msk [tilespmem:v2+s24+$0x20 ss:$0x1], $0xffff  }
0xa7: {  	v11 =	vadd.f32 v4, v11;
	v5 =	vadd.f32 v5, v12;
	v4 =	vand.u32 $0xFFFF0000, v9  }
0xa8: {  	v9 =	vadd.f32 v10, v7;
	v10 =	vadd.f32 v4, v13;
	v12 =	vshll.u32 v16, $0x10;
	v7 =	vld.idx.msk [tilespmem:v2+s24+$0x40 ss:$0x1], $0xffff;
	s24 =	sshra.s32 s25, $0x2  }
0xa9: {  	v11 =	vadd.f32 v6, v11;
	v8 =	vadd.f32 v8, v5;
	v5 =	vand.u32 $0xFFFF0000, v16;
	v4 =	vld.idx.msk [tilespmem:v2+s24+$0x30 ss:$0x1], $0xffff  }
.Ltmp3:
0xaa: {  	v9 =	vadd.f32 v12, v9;
	v10 =	vadd.f32 v5, v10;
	v12 =	vshll.u32 v15, $0x10;
	v6 =	vld.idx.msk [tilespmem:v2+s24+$0x10 ss:$0x1], $0xffff;
	(pc) =	sbr.rel @p0 .LBB2_10-.Ltmp3, $4  }
0xab: {  	v11 =	vadd.f32 v14, v11;
	v13 =	vadd.f32 v19, v8;
	v14 =	vand.u32 $0xFFFF0000, v15;
	v5 =	vld.idx.msk [tilespmem:v2+s24+$0xFFFFFFF0 ss:$0x1], $0xffff  }
0xac: {  	v15 =	vadd.f32 v12, v9;
	v14 =	vadd.f32 v14, v10;
	v16 =	vshll.u32 v20, $0x10;
	v8 =	vld.idx.msk [tilespmem:v2+s24+$0xFFFFFFD0 ss:$0x1], $0xffff  }
0xad: {  	v11 =	vadd.f32 v17, v11;
	v12 =	vadd.f32 v18, v13;
	v17 =	vand.u32 $0xFFFF0000, v20;
	v10 =	vld.idx.msk [tilespmem:v2+s24+$0xFFFFFFB0 ss:$0x1], $0xffff  }
0xae: {  	s25 =	sadd.s32 $0x280, s25;
	v13 =	vadd.f32 v16, v15;
	v14 =	vadd.f32 v17, v14;
	v15 =	vshll.u32 v7, $0x10;
	v9 =	vld.idx.msk [tilespmem:v2+s24+$0xFFFFFFC0 ss:$0x1], $0xffff  }
0xaf: {  	_ =	sdelay $0x1  }
0xb0: {  	v11 =	vadd.f32 v1, v11;
	v3 =	vadd.f32 v3, v12;
	v1 =	vand.u32 $0xFFFF0000, v7  }
0xb1: {  	v16 =	vshll.u32 v6, $0x10;
	v6 =	vand.u32 $0xFFFF0000, v6;
	v7 =	vadd.f32 v15, v13  }
0xb2: {  	v12 =	vadd.f32 v1, v14;
	v13 =	vshll.u32 v4, $0x10;
	v14 =	vld.idx.msk [tilespmem:v2+s24+$0xFFFFFFE0 ss:$0x1], $0xffff;
	v4 =	vand.u32 $0xFFFF0000, v4  }
0xb3: {  	v15 =	vshll.u32 v5, $0x10;
	v1 =	vmov s23;
	v5 =	vand.u32 $0xFFFF0000, v5  }
0xb4: {  	v18 =	vld.idx.msk [tilespmem:v2+s24+$0x0 ss:$0x1], $0xffff;
	v17 =	vshll.u32 v8, $0x10;
	v8 =	vand.u32 $0xFFFF0000, v8;
	v19 =	vshll.u32 v10, $0x10  }
0xb5: {  	v10 =	vand.u32 $0xFFFF0000, v10;
	v20 =	vshll.u32 v9, $0x10;
	v11 =	vadd.f32 v19, v11  }
0xb6: {  	v19 =	vld.idx.msk [tilespmem:v2+s24+$0x20 ss:$0x1], $0xffff;
	v3 =	vadd.f32 v10, v3;
	v9 =	vand.u32 $0xFFFF0000, v9;
	v7 =	vadd.f32 v20, v7  }
0xb7: {  	s25 =	simm.s32 $0x0;
	v2 =	vld.idx.msk [tilespmem:v2+s24+$0x40 ss:$0x1], $0xffff;
	v9 =	vadd.f32 v9, v12;
	v10 =	vshll.u32 v14, $0x10;
	v11 =	vadd.f32 v17, v11  }
0xb8: {  	v3 =	vadd.f32 v8, v3;
	v8 =	vand.u32 $0xFFFF0000, v14;
	v12 =	vld.idx.msk [tilespmem:v1+s25+$0xFFFFFFD0 ss:$0x1], $0xffff;
	v7 =	vadd.f32 v10, v7  }
0xb9: {  	v14 =	vld.idx.msk [tilespmem:v1+s25+$0xFFFFFF90 ss:$0x1], $0xffff;
	v8 =	vadd.f32 v8, v9;
	v9 =	vshll.u32 v18, $0x10;
	v11 =	vadd.f32 v15, v11  }
0xba: {  	v10 =	vld.idx.msk [tilespmem:v1+s25+$0xFFFFFFF0 ss:$0x1], $0xffff;
	v3 =	vadd.f32 v5, v3;
	v5 =	vand.u32 $0xFFFF0000, v18;
	v7 =	vadd.f32 v9, v7  }
0xbb: {  	v9 =	vld.idx.msk [tilespmem:v1+s25+$0xFFFFFFB0 ss:$0x1], $0xffff;
	v5 =	vadd.f32 v5, v8;
	v8 =	vshll.u32 v19, $0x10;
	v11 =	vadd.f32 v16, v11  }
0xbc: {  	v3 =	vadd.f32 v6, v3;
	v6 =	vand.u32 $0xFFFF0000, v19;
	v7 =	vadd.f32 v8, v7;
	v8 =	vld.idx.msk [tilespmem:v1+s25+$0xFFFFFF70 ss:$0x1], $0xffff  }
0xbd: {  	v15 =	vshll.u32 v2, $0x10;
	v6 =	vadd.f32 v6, v5;
	v5 =	vadd.f32 v13, v11;
	v11 =	vld.idx.msk [tilespmem:v1+s25+$0xFFFFFF80 ss:$0x1], $0xffff  }
0xbe: {  	v2 =	vand.u32 $0xFFFF0000, v2;
	v16 =	vshll.u32 v12, $0x10;
	v12 =	vand.u32 $0xFFFF0000, v12  }
0xbf: {  	v18 =	vshll.u32 v14, $0x10;
	v14 =	vand.u32 $0xFFFF0000, v14;
	v4 =	vadd.f32 v4, v3;
	v13 =	vld.idx.msk [tilespmem:v1+s25+$0xFFFFFFA0 ss:$0x1], $0xffff  }
0xc0: {  	v3 =	vadd.f32 v15, v7;
	v2 =	vadd.f32 v2, v6;
	v6 =	vshll.u32 v10, $0x10  }
0xc1: {  	v17 =	vld.idx.msk [tilespmem:v1+s25+$0xFFFFFFC0 ss:$0x1], $0xffff;
	v7 =	vand.u32 $0xFFFF0000, v10;
	v15 =	vshll.u32 v9, $0x10;
	v19 =	vand.u32 $0xFFFF0000, v9  }
0xc2: {  	v9 =	vshll.u32 v8, $0x10;
	v8 =	vand.u32 $0xFFFF0000, v8;
	v10 =	vshll.u32 v11, $0x10  }
0xc3: {  	v20 =	vld.idx.msk [tilespmem:v1+s25+$0xFFFFFFE0 ss:$0x1], $0xffff;
	v9 =	vadd.f32 v9, v0;
	v8 =	vadd.f32 v8, v0;
	v11 =	vand.u32 $0xFFFF0000, v11  }
0xc4: {  	s24 =	simm.s32 $0xA0;
	v22 =	vshll.u32 v13, $0x10;
	v21 =	vadd.f32 v10, v0;
	v11 =	vadd.f32 v11, v0;
	v10 =	vld.idx.msk [tilespmem:v1+s25+$0x0 ss:$0x1], $0xffff  }
0xc5: {  	v0 =	vld.idx.msk [tilespmem:v1+s24+$0xFFFFFFF0 ss:$0x1], $0xffff;
	v18 =	vadd.f32 v18, v9;
	v14 =	vadd.f32 v14, v8;
	v9 =	vand.u32 $0xFFFF0000, v13  }
0xc6: {  	v62 =	vshll.u32 v17, $0x10;
	v8 =	vld.idx.msk [tilespmem:v1+s24+$0xFFFFFFD0 ss:$0x1], $0xffff;
	v13 =	vadd.f32 v22, v21;
	v61 =	vadd.f32 v9, v11  }
0xc7: {  	v9 =	vld.idx.msk [tilespmem:v1+s24+$0xFFFFFFB0 ss:$0x1], $0xffff;
	v15 =	vadd.f32 v15, v18;
	v18 =	vadd.f32 v19, v14;
	v14 =	vand.u32 $0xFFFF0000, v17  }
0xc8: {  	v63 =	vshll.u32 v20, $0x10;
	v11 =	vld.idx.msk [tilespmem:v1+s24+$0xFFFFFF90 ss:$0x1], $0xffff;
	v17 =	vadd.f32 v62, v13;
	v19 =	vadd.f32 v14, v61  }
0xc9: {  	v13 =	vld.idx.msk [tilespmem:v1+s24+$0xFFFFFF70 ss:$0x1], $0xffff;
	v14 =	vadd.f32 v16, v15;
	v15 =	vadd.f32 v12, v18;
	v16 =	vand.u32 $0xFFFF0000, v20  }
0xca: {  	s25 =	simm.s32 $0x500;
	v12 =	vld.idx.msk [tilespmem:v1+s24+$0xFFFFFF80 ss:$0x1], $0xffff;
	v18 =	vshll.u32 v10, $0x10;
	v17 =	vadd.f32 v63, v17;
	v16 =	vadd.f32 v16, v19  }
.LBB2_12:
0xcb: {  	p0 =	sne.s32 s25, $0x1680;
	v14 =	vadd.f32 v6, v14;
	v15 =	vadd.f32 v7, v15;
	v6 =	vand.u32 $0xFFFF0000, v10  }
0xcc: {  	v19 =	vld.idx.msk [tilespmem:v1+s24+$0xFFFFFFA0 ss:$0x1], $0xffff;
	v10 =	vadd.f32 v18, v17;
	v16 =	vadd.f32 v6, v16  }
0xcd: {  	v7 =	vand.u32 $0xFFFF0000, v0;
	v6 =	vshll.u32 v0, $0x10  }
0xce: {  	v20 =	vshll.u32 v8, $0x10;
	v21 =	vand.u32 $0xFFFF0000, v8;
	v17 =	vshll.u32 v9, $0x10;
	v18 =	vld.idx.msk [tilespmem:v1+s24+$0xFFFFFFC0 ss:$0x1], $0xffff  }
0xcf: {  	v22 =	vand.u32 $0xFFFF0000, v9;
	v8 =	vshll.u32 v11, $0x10;
	v11 =	vand.u32 $0xFFFF0000, v11  }
0xd0: {  	v0 =	vshll.u32 v13, $0x10;
	v9 =	vand.u32 $0xFFFF0000, v13;
	v13 =	vshll.u32 v12, $0x10;
	v23 =	vld.idx.msk [tilespmem:v1+s24+$0xFFFFFFE0 ss:$0x1], $0xffff  }
0xd1: {  	v14 =	vadd.f32 v0, v14;
	v9 =	vadd.f32 v9, v15;
	v0 =	vand.u32 $0xFFFF0000, v12  }
0xd2: {  	v12 =	vadd.f32 v13, v10;
	v13 =	vadd.f32 v0, v16;
	v15 =	vshll.u32 v19, $0x10;
	v10 =	vld.idx.msk [tilespmem:v1+s24+$0x0 ss:$0x1], $0xffff;
	s24 =	sshra.s32 s25, $0x2  }
0xd3: {  	v14 =	vadd.f32 v8, v14;
	v11 =	vadd.f32 v11, v9;
	v9 =	vand.u32 $0xFFFF0000, v19;
	v0 =	vld.idx.msk [tilespmem:v1+s24+$0xFFFFFFF0 ss:$0x1], $0xffff  }
.Ltmp4:
0xd4: {  	v12 =	vadd.f32 v15, v12;
	v13 =	vadd.f32 v9, v13;
	v15 =	vshll.u32 v18, $0x10;
	v8 =	vld.idx.msk [tilespmem:v1+s24+$0xFFFFFFD0 ss:$0x1], $0xffff;
	(pc) =	sbr.rel @p0 .LBB2_12-.Ltmp4, $4  }
0xd5: {  	v14 =	vadd.f32 v17, v14;
	v16 =	vadd.f32 v22, v11;
	v17 =	vand.u32 $0xFFFF0000, v18;
	v9 =	vld.idx.msk [tilespmem:v1+s24+$0xFFFFFFB0 ss:$0x1], $0xffff  }
0xd6: {  	v18 =	vadd.f32 v15, v12;
	v19 =	vadd.f32 v17, v13;
	v17 =	vshll.u32 v23, $0x10;
	v11 =	vld.idx.msk [tilespmem:v1+s24+$0xFFFFFF90 ss:$0x1], $0xffff  }
0xd7: {  	v14 =	vadd.f32 v20, v14;
	v15 =	vadd.f32 v21, v16;
	v16 =	vand.u32 $0xFFFF0000, v23;
	v13 =	vld.idx.msk [tilespmem:v1+s24+$0xFFFFFF70 ss:$0x1], $0xffff  }
0xd8: {  	s25 =	sadd.s32 $0x280, s25;
	v17 =	vadd.f32 v17, v18;
	v16 =	vadd.f32 v16, v19;
	v18 =	vshll.u32 v10, $0x10;
	v12 =	vld.idx.msk [tilespmem:v1+s24+$0xFFFFFF80 ss:$0x1], $0xffff  }
0xd9: {  	_ =	sdelay $0x1  }
0xda: {  	v6 =	vadd.f32 v6, v14;
	v7 =	vadd.f32 v7, v15;
	v10 =	vand.u32 $0xFFFF0000, v10  }
0xdb: {  	v37 =	vshll.u32 v0, $0x10;
	v19 =	vshll.u32 v8, $0x10;
	v52 =	vand.u32 $0xFFFF0000, v8  }
0xdc: {  	v36 =	vld.idx.msk [tilespmem:v1+s24+$0xFFFFFFA0 ss:$0x1], $0xffff;
	v56 =	vand.u32 $0xFFFF0000, v0;
	v35 =	vadd.f32 v18, v17;
	v10 =	vadd.f32 v10, v16  }
0xdd: {  	v39 =	vshll.u32 v9, $0x10;
	v43 =	vand.u32 $0xFFFF0000, v9;
	v38 =	vshll.u32 v13, $0x10  }
0xde: {  	v40 =	vld.idx.msk [tilespmem:v1+s24+$0xFFFFFFC0 ss:$0x1], $0xffff;
	v20 =	vshll.u32 v11, $0x10;
	v42 =	vand.u32 $0xFFFF0000, v13;
	v6 =	vadd.f32 v38, v6  }
0xdf: {  	v41 =	vand.u32 $0xFFFF0000, v11;
	v21 =	vshll.u32 v12, $0x10;
	v7 =	vadd.f32 v42, v7  }
0xe0: {  	v46 =	vld.idx.msk [tilespmem:v1+s24+$0xFFFFFFE0 ss:$0x1], $0xffff;
	v44 =	vand.u32 $0xFFFF0000, v12;
	v45 =	vadd.f32 v21, v35;
	v6 =	vadd.f32 v20, v6  }
0xe1: {  	v47 =	vshll.u32 v36, $0x10;
	v10 =	vadd.f32 v44, v10;
	v7 =	vadd.f32 v41, v7  }
0xe2: {  	v50 =	vld.idx.msk [tilespmem:v1+s24+$0x0 ss:$0x1], $0xffff;
	s31 =	sshll.u32 s21, $0x7;
	v48 =	vand.u32 $0xFFFF0000, v36;
	v49 =	vadd.f32 v47, v45;
	v6 =	vadd.f32 v39, v6  }
0xe3: {  	s24 =	sand.u32 $0x3FFFFF80, s31;
	v51 =	vshll.u32 v40, $0x10;
	v53 =	vadd.f32 v48, v10;
	v7 =	vadd.f32 v43, v7  }
0xe4: {  	[tilespmem:s24+$0x128C0] =	vst v5;
	v55 =	vand.u32 $0xFFFF0000, v40;
	v54 =	vadd.f32 v51, v49;
	v6 =	vadd.f32 v19, v6  }
0xe5: {  	s21 =	sadd.s32 $0x1, s21;
	[tilespmem:s24+$0x128D0] =	vst v4;
	v58 =	vshll.u32 v46, $0x10;
	v57 =	vadd.f32 v55, v53;
	v7 =	vadd.f32 v52, v7  }
0xe6: {  	p0 =	sne.s32 s21, $0x10;
	[tilespmem:s24+$0x128E0] =	vst v3;
	v60 =	vand.u32 $0xFFFF0000, v46;
	v59 =	vadd.f32 v58, v54;
	v6 =	vadd.f32 v37, v6  }
.Ltmp5:
0xe7: {  	[tilespmem:s24+$0x128F0] =	vst v2;
	v61 =	vshll.u32 v50, $0x10;
	v62 =	vadd.f32 v60, v57;
	v0 =	vadd.f32 v56, v7;
	(pc) =	sbr.rel @p0 .LBB2_9-.Ltmp5, $4  }
0xe8: {  	v63 =	vand.u32 $0xFFFF0000, v50;
	v5 =	vadd.f32 v61, v59;
	[tilespmem:s24+$0x12900] =	vst v6  }
0xe9: {  	[tilespmem:s24+$0x12910] =	vst v0;
	v0 =	vadd.f32 v63, v62  }
0xea: {  	[tilespmem:s24+$0x12920] =	vst v5  }
0xeb: {  	s22 =	sadd.s32 $0x8C0, s22;
	s23 =	sadd.s32 $0x8C0, s23;
	[tilespmem:s24+$0x12930] =	vst v0  }
0xec: {  	s19 =	sadd.s32 $0x1, s19  }
0xed: {  	s20 =	sshll.u32 s20, $0x8;
	p0 =	sne.s32 s19, $0x10  }
.Ltmp6:
0xee: {  	s20 =	sadd.s32 s20, s7;
	(pc) =	sbr.rel @p0 .LBB2_2-.Ltmp6, $4  }
0xef: {  	[hbm4b:s20+s2] =	stream.linear.scatter [tilespmem:s17], [sflag:$0x3], $0x800, $0x38;
	[tilespmem:$0x130C0] =	vst v63  }
0xf0: {  	_ =	swait.ge [sflag:s10], $0x800  }
0xf1: {  	[sflag:s10] =	ssyncset.done $0x0  }
0xf2: {  	[sflag:s10] =	ssyncadd.s32 $0xFFFFF800  }
0xf3: {  	s18 =	sadd.s32 $0x1, s18  }
0xf4: {  	p0 =	sne.s32 s18, s9  }
.Ltmp7:
0xf5: {  	_ = 	snop;
	(pc) =	sbr.rel @p0 .LBB2_1-.Ltmp7, $1  }
0xf6: {  	_ =	sdelay $0x3  }
0xf7: {  	_ =	sfence.sel $0x180000  }
0xf8: {  	[bflag:$0x0] =	sbarrier.arrive $0xFFFF  }
0xf9: {  	p0 =	sne.s32 s1, $0x0;
	_ =	strace $0x90000047  }
0xfa: {  	s0 =	sadd.s32 @!p0 $0x100000, s0;
	[bflag:$0x2] =	sbarrier.arrive $0xFFFF  }
0xfb: {  	[sflag:s0] =	ssyncadd.tile.s32 @!p0 $0x1;
	_ =	shalt  }
.Lfunc_end2:
_tile_overlayer_lowered:
.L_overlay_start_2:
0xfc: {  	(tag) =	ssettag $0x2  }
0xfd: {  	s0 =	rddreg [dreg:$0x0];
	s2 =	stileid.u32  }
0xfe: {  	s1 =	rddreg [dreg:$0x1];
	p0 =	sne.s32 s2, $0x0  }
0xff: {  	s3 =	rddreg [dreg:$0x2];
	[bflag:$0x3] =	sbarrier.arrive $0xFFFF;
	s2 =	simm.s32 @!p0 $0x1C03  }
0x100: {  	[timem:s3], [sflag:s2] =	dma.local @!p0 [hbm:s0], s1  }
0x101: {  	s0 =	simm.s32 @!p0 $0x3  }
0x102: {  	_ =	swait.ge @!p0 [sflag:s0], s1  }
0x103: {  	s1 =	ssub.s32 @!p0 $0x0, s1;
	[sflag:s0] =	ssyncset.done @!p0 $0x0  }
0x104: {  	[sflag:s0] =	ssyncadd.s32 @!p0 s1  }
0x105: {  	[bflag:$0x3] =	sbarrier.arrive $0xFFFF  }
0x106: {  	_ =	shalt  }

</sc_bundles>
